<compile_context>
chip_gen: v7x
topology: tpu7x:2x2x1
jax: 0.10.2.dev20260603
libtpu: 0.0.44.dev20260713+nightly
codegen_flags: <defaults>
</compile_context>

<pallas_src>
import functools

import jax
import jax.numpy as jnp
from jax import lax
from jax.experimental import pallas as pl
from jax.experimental.pallas import tpu as pltpu
from jax.experimental.pallas import tpu_sc as plsc

BATCH = 16384
NUM_USERS = 1000000
NUM_MOVIES = 100000
UD = 32
MD = 32
H1 = 128
H2 = 64
GRP = 128

NUM_WORKERS = 32
CHUNK = 128
ROWS_PER_W = BATCH // NUM_WORKERS
CHUNKS_PER_W = ROWS_PER_W // CHUNK
IDX_ROWS = BATCH // CHUNK


def _sc_gather(t4, idx2d):
    mesh = plsc.VectorSubcoreMesh(core_axis_name="c", subcore_axis_name="s")

    @functools.partial(
        pl.kernel,
        mesh=mesh,
        compiler_params=pltpu.CompilerParams(use_tc_tiling_on_sc=False),
        out_type=jax.ShapeDtypeStruct((BATCH, GRP), jnp.float32),
        scratch_types=[
            pltpu.VMEM((CHUNKS_PER_W, CHUNK), jnp.int32),
            pltpu.VMEM((ROWS_PER_W, GRP), jnp.float32),
            pltpu.SemaphoreType.DMA,
        ],
    )
    def k(t_hbm, i_hbm, out_hbm, i_v, rows_v, sem):
        wid = lax.axis_index("s") * 2 + lax.axis_index("c")
        pltpu.sync_copy(i_hbm.at[pl.ds(wid * CHUNKS_PER_W, CHUNKS_PER_W)], i_v)
        copies = []
        for j in range(CHUNKS_PER_W):
            copies.append(pltpu.async_copy(
                t_hbm.at[i_v.at[j]],
                rows_v.at[pl.ds(j * CHUNK, CHUNK)], sem))
        for c in copies:
            c.wait()
        pltpu.sync_copy(rows_v, out_hbm.at[pl.ds(wid * ROWS_PER_W, ROWS_PER_W)])

    return k(t4, idx2d)


RSUB = 12544
DU = 250880
DM = 25088


def _regroup_body(x0_ref, x1_ref, x2_ref, x3_ref, o_ref):
    x = jnp.concatenate([x0_ref[...], x1_ref[...], x2_ref[...], x3_ref[...]],
                        axis=0)
    eye = jnp.eye(GRP, dtype=jnp.float32)
    o_ref[...] = lax.dot_general(x, eye, (((0,), (0,)), ((), ())),
                                 preferred_element_type=jnp.float32)


def _tc_regroup(tT, d):
    grid = d // RSUB
    specs = [
        pl.BlockSpec((UD, RSUB), lambda i, a=a, g=grid: (0, g * a + i))
        for a in range(4)
    ]
    return pl.pallas_call(
        _regroup_body,
        grid=(grid,),
        in_specs=specs,
        out_specs=pl.BlockSpec((RSUB, GRP), lambda i: (i, 0)),
        out_shape=jax.ShapeDtypeStruct((d, GRP), jnp.float32),
        compiler_params=pltpu.CompilerParams(
            dimension_semantics=("arbitrary",),
            vmem_limit_bytes=56 * 1024 * 1024),
    )(tT, tT, tT, tT)


BLK = 2048
GRID = BATCH // BLK


def _mlp_body(ug_ref, mg_ref, aux_ref, w1u_ref, w1m_ref, war_ref, b1_ref,
              w2_ref, b2_ref, w3_ref, b3_ref, out_ref):
    hp = jax.lax.Precision.DEFAULT
    f32 = jnp.float32
    aux = aux_ref[...]
    auxc = jnp.transpose(aux)
    uoff = auxc[:, 0:1].astype(jnp.int32)
    moff = auxc[:, 1:2].astype(jnp.int32)
    age = auxc[:, 2:3]
    rat = auxc[:, 3:4]
    colgrp = lax.broadcasted_iota(jnp.int32, (BLK, GRP), 1) // UD
    um = jnp.where(colgrp == uoff, ug_ref[...], 0.0)
    mm = jnp.where(colgrp == moff, mg_ref[...], 0.0)
    h = jnp.dot(um, w1u_ref[...], precision=hp, preferred_element_type=f32)
    h = h + jnp.dot(mm, w1m_ref[...], precision=hp, preferred_element_type=f32)
    war = war_ref[...]
    h = h + age * war[0:1, :] + rat * war[1:2, :]
    h = jnp.maximum(h + b1_ref[...], 0.0)
    h = jnp.dot(h, w2_ref[...], precision=hp, preferred_element_type=f32)
    h = jnp.maximum(h + b2_ref[...], 0.0)
    logit = jnp.sum(h * w3_ref[...], axis=1, keepdims=True) + b3_ref[...]
    out_ref[...] = jax.nn.sigmoid(logit)


def _mlp(ug, mg, aux, W1u4, W1m4, War, b1, W2, b2, w3row, b3):
    full = lambda i: (0, 0)
    out = pl.pallas_call(
        _mlp_body,
        grid=(GRID,),
        in_specs=[
            pl.BlockSpec((BLK, GRP), lambda i: (i, 0)),
            pl.BlockSpec((BLK, GRP), lambda i: (i, 0)),
            pl.BlockSpec((4, BLK), lambda i: (0, i)),
            pl.BlockSpec((GRP, H1), full),
            pl.BlockSpec((GRP, H1), full),
            pl.BlockSpec((2, H1), full),
            pl.BlockSpec((1, H1), full),
            pl.BlockSpec((H1, H2), full),
            pl.BlockSpec((1, H2), full),
            pl.BlockSpec((1, H2), full),
            pl.BlockSpec((1, 1), full),
        ],
        out_specs=pl.BlockSpec((BLK, 1), lambda i: (i, 0)),
        out_shape=jax.ShapeDtypeStruct((BATCH, 1), jnp.float32),
    )(ug, mg, aux, W1u4, W1m4, War, b1, W2, b2, w3row, b3)
    return out


def kernel(user_ids, movie_ids, user_ages, movie_ratings,
           user_table, movie_table, W1, b1, W2, b2, W3, b3):
    uid = user_ids.astype(jnp.int32)
    mid = movie_ids.astype(jnp.int32)
    mt4 = _tc_regroup(movie_table.T, DM)
    mg = _sc_gather(mt4, (mid % DM).reshape(IDX_ROWS, CHUNK))
    ut4 = _tc_regroup(user_table.T, DU)
    ug = _sc_gather(ut4, (uid % DU).reshape(IDX_ROWS, CHUNK))
    aux = jnp.stack([(uid // DU).astype(jnp.float32),
                     (mid // DM).astype(jnp.float32),
                     user_ages.astype(jnp.float32),
                     movie_ratings.astype(jnp.float32)], axis=0)
    W1u4 = jnp.tile(W1[0:UD, :], (4, 1))
    W1m4 = jnp.tile(W1[UD:UD + MD, :], (4, 1))
    War = W1[UD + MD:UD + MD + 2, :]
    out = _mlp(ug, mg, aux, W1u4, W1m4, War, b1[None, :], W2, b2[None, :],
               W3.T, b3[None, :])
    return out[:, 0]

# --- scband reference (transcript-rebuilt; emitter-appended) ---
"""Pipeline reference for scband-recommendation-model-with-concatenation-62371515072826 (READ-ONLY COPY).

The authoritative reference and input builder live on the scoring server;
editing this copy changes nothing except your own understanding.
"""

import jax, jax.numpy as jnp
import numpy as np

NUM_USERS = 1000000
NUM_MOVIES = 100000
USER_DIM = 32
MOVIE_DIM = 32
BATCH = 16384


def setup_inputs(seed: int = 0) -> dict:
    key = jax.random.key(seed)
    ks = jax.random.split(key, 12)
    user_ids = jax.random.randint(ks[0], (BATCH,), 0, NUM_USERS, dtype=jnp.int64 if jax.config.jax_enable_x64 else jnp.int32)
    movie_ids = jax.random.randint(ks[1], (BATCH,), 0, NUM_MOVIES, dtype=jnp.int64 if jax.config.jax_enable_x64 else jnp.int32)
    user_ages = jax.random.uniform(ks[2], (BATCH,), dtype=jnp.float32)
    movie_ratings = jax.random.uniform(ks[3], (BATCH,), dtype=jnp.float32)
    user_table = jax.random.normal(ks[4], (NUM_USERS, USER_DIM), dtype=jnp.float32)
    movie_table = jax.random.normal(ks[5], (NUM_MOVIES, MOVIE_DIM), dtype=jnp.float32)
    d_in = USER_DIM + MOVIE_DIM + 2
    W1 = jax.random.normal(ks[6], (d_in, 128), dtype=jnp.float32) * (1.0 / np.sqrt(d_in))
    b1 = jnp.zeros((128,), dtype=jnp.float32)
    W2 = jax.random.normal(ks[7], (128, 64), dtype=jnp.float32) * (1.0 / np.sqrt(128))
    b2 = jnp.zeros((64,), dtype=jnp.float32)
    W3 = jax.random.normal(ks[8], (64, 1), dtype=jnp.float32) * (1.0 / np.sqrt(64))
    b3 = jnp.zeros((1,), dtype=jnp.float32)
    return {
        "user_ids": user_ids,
        "movie_ids": movie_ids,
        "user_ages": user_ages,
        "movie_ratings": movie_ratings,
        "user_table": user_table,
        "movie_table": movie_table,
        "W1": W1, "b1": b1, "W2": W2, "b2": b2, "W3": W3, "b3": b3,
    }


def reference(user_ids, movie_ids, user_ages, movie_ratings,
              user_table, movie_table, W1, b1, W2, b2, W3, b3):
    user_embed = jnp.take(user_table, user_ids, axis=0)
    movie_embed = jnp.take(movie_table, movie_ids, axis=0)
    user_ages_t = user_ages.astype(jnp.float32)[:, None]
    movie_ratings_t = movie_ratings.astype(jnp.float32)[:, None]
    combined = jnp.concatenate([user_embed, movie_embed, user_ages_t, movie_ratings_t], axis=1)
    h = jax.nn.relu(combined @ W1 + b1)
    # dropout is identity in eval mode
    h = jax.nn.relu(h @ W2 + b2)
    out = jax.nn.sigmoid(h @ W3 + b3)
    return out[:, 0]

if __name__ == "__main__":
    import jax
    _d = setup_inputs()
    print(jax.jit(kernel)(*tuple(_d.values())))

</pallas_src>

<mosaic_0001>
#map = affine_map<(d0, d1) -> (0, 0)>
module attributes {stable_mosaic.version = 14 : i64} {
  func.func @k(%arg0: i32, %arg1: i32, %arg2: memref<25088x128xf32, #tpu.memory_space<hbm>>, %arg3: memref<128x128xi32, #tpu.memory_space<hbm>>, %arg4: memref<16384x128xf32, #tpu.memory_space<hbm>>, %arg5: memref<4x128xi32, #tpu.memory_space<vmem>>, %arg6: memref<512x128xf32, #tpu.memory_space<vmem>>, %arg7: memref<!tpu.dma_semaphore, #tpu.memory_space<semaphore_mem>>) attributes {dimension_semantics = [#tpu.dimension_semantics<core_parallel>, #tpu.dimension_semantics<subcore_parallel>], iteration_bounds = array<i64: 2, 16>, scalar_prefetch = 0 : i64, scratch_operands = 3 : i64, tpu.core_type = #tpu.core_type<sc_vector_subcore>, window_params = [{transform_indices = #map}, {transform_indices = #map}, {transform_indices = #map}]} {
    %mul3A = arith.constant 2 : i32
    %mul3A_0 = arith.muli %arg1, %mul3A : i32
    %add3A = arith.addi %mul3A_0, %arg0 : i32
    %mul3A_1 = arith.constant 4 : i32
    %mul3A_2 = arith.muli %add3A, %mul3A_1 : i32
    "tpu.region"() ({
      %run_scoped3A = tpu.sem_alloc : memref<!tpu.dma_semaphore, #tpu.memory_space<semaphore_mem>>
      %dma_start3A_83 = arith.constant 0 : i32
      %dma_start3A_84 = tpu.memref_slice %arg3[%mul3A_2, %dma_start3A_83] : memref<128x128xi32, #tpu.memory_space<hbm>> -> memref<4x128xi32, #tpu.memory_space<hbm>>
      %dma_start3A_85 = arith.constant 0 : i32
      %dma_start3A_86 = tpu.memref_slice %arg3[%mul3A_2, %dma_start3A_85] : memref<128x128xi32, #tpu.memory_space<hbm>> -> memref<4x128xi32, #tpu.memory_space<hbm>>
      tpu.enqueue_dma source(%dma_start3A_86 : memref<4x128xi32, #tpu.memory_space<hbm>>) target(%arg5 : memref<4x128xi32, #tpu.memory_space<vmem>>) target_semaphore(%run_scoped3A : memref<!tpu.dma_semaphore, #tpu.memory_space<semaphore_mem>>)
      %dma_wait3A_87 = arith.constant 0 : i32
      %dma_wait3A_88 = tpu.memref_slice %arg3[%mul3A_2, %dma_wait3A_87] : memref<128x128xi32, #tpu.memory_space<hbm>> -> memref<4x128xi32, #tpu.memory_space<hbm>>
      %dma_wait3A_89 = arith.constant 0 : i32
      %dma_wait3A_90 = tpu.memref_slice %arg3[%mul3A_2, %dma_wait3A_89] : memref<128x128xi32, #tpu.memory_space<hbm>> -> memref<4x128xi32, #tpu.memory_space<hbm>>
      tpu.wait_dma2 semaphore(%run_scoped3A : memref<!tpu.dma_semaphore, #tpu.memory_space<semaphore_mem>>) src(%dma_wait3A_90 : memref<4x128xi32, #tpu.memory_space<hbm>>) dst(%arg5 : memref<4x128xi32, #tpu.memory_space<vmem>>)
      tpu.yield
    }) : () -> ()
    %dma_start3A = arith.constant 0 : i32
    %dma_start3A_3 = arith.constant 0 : i32
    %dma_start3A_4 = arith.constant 0 : i32
    %dma_start3A_5 = tpu.memref_slice %arg6[%dma_start3A_3, %dma_start3A_4] : memref<512x128xf32, #tpu.memory_space<vmem>> -> memref<128x128xf32, #tpu.memory_space<vmem>>
    %dma_start3A_6 = arith.constant 0 : i32
    %dma_start3A_7 = tpu.memref_slice %arg5[%dma_start3A, %dma_start3A_6] : memref<4x128xi32, #tpu.memory_space<vmem>> -> memref<1x128xi32, #tpu.memory_space<vmem>>
    %dma_start3A_8 = tpu.memref_squeeze %dma_start3A_7 : memref<1x128xi32, #tpu.memory_space<vmem>> -> memref<128xi32, #tpu.memory_space<vmem>>
    %dma_start3A_9 = arith.constant 0 : i32
    %dma_start3A_10 = arith.constant 0 : i32
    %dma_start3A_11 = tpu.memref_slice %arg2[%dma_start3A_9, %dma_start3A_10] : memref<25088x128xf32, #tpu.memory_space<hbm>> -> memref<25088x128xf32, #tpu.memory_space<hbm>>
    tpu.enqueue_indirect_dma source(%dma_start3A_11 : memref<25088x128xf32, #tpu.memory_space<hbm>>) target(%dma_start3A_5 : memref<128x128xf32, #tpu.memory_space<vmem>>) offsets(%dma_start3A_8 : memref<128xi32, #tpu.memory_space<vmem>>) semaphore(%arg7 : memref<!tpu.dma_semaphore, #tpu.memory_space<semaphore_mem>>)
    %dma_start3A_12 = arith.constant 1 : i32
    %dma_start3A_13 = arith.constant 128 : i32
    %dma_start3A_14 = arith.constant 0 : i32
    %dma_start3A_15 = tpu.memref_slice %arg6[%dma_start3A_13, %dma_start3A_14] : memref<512x128xf32, #tpu.memory_space<vmem>> -> memref<128x128xf32, #tpu.memory_space<vmem>>
    %dma_start3A_16 = arith.constant 0 : i32
    %dma_start3A_17 = tpu.memref_slice %arg5[%dma_start3A_12, %dma_start3A_16] : memref<4x128xi32, #tpu.memory_space<vmem>> -> memref<1x128xi32, #tpu.memory_space<vmem>>
    %dma_start3A_18 = tpu.memref_squeeze %dma_start3A_17 : memref<1x128xi32, #tpu.memory_space<vmem>> -> memref<128xi32, #tpu.memory_space<vmem>>
    %dma_start3A_19 = arith.constant 0 : i32
    %dma_start3A_20 = arith.constant 0 : i32
    %dma_start3A_21 = tpu.memref_slice %arg2[%dma_start3A_19, %dma_start3A_20] : memref<25088x128xf32, #tpu.memory_space<hbm>> -> memref<25088x128xf32, #tpu.memory_space<hbm>>
    tpu.enqueue_indirect_dma source(%dma_start3A_21 : memref<25088x128xf32, #tpu.memory_space<hbm>>) target(%dma_start3A_15 : memref<128x128xf32, #tpu.memory_space<vmem>>) offsets(%dma_start3A_18 : memref<128xi32, #tpu.memory_space<vmem>>) semaphore(%arg7 : memref<!tpu.dma_semaphore, #tpu.memory_space<semaphore_mem>>)
    %dma_start3A_22 = arith.constant 2 : i32
    %dma_start3A_23 = arith.constant 256 : i32
    %dma_start3A_24 = arith.constant 0 : i32
    %dma_start3A_25 = tpu.memref_slice %arg6[%dma_start3A_23, %dma_start3A_24] : memref<512x128xf32, #tpu.memory_space<vmem>> -> memref<128x128xf32, #tpu.memory_space<vmem>>
    %dma_start3A_26 = arith.constant 0 : i32
    %dma_start3A_27 = tpu.memref_slice %arg5[%dma_start3A_22, %dma_start3A_26] : memref<4x128xi32, #tpu.memory_space<vmem>> -> memref<1x128xi32, #tpu.memory_space<vmem>>
    %dma_start3A_28 = tpu.memref_squeeze %dma_start3A_27 : memref<1x128xi32, #tpu.memory_space<vmem>> -> memref<128xi32, #tpu.memory_space<vmem>>
    %dma_start3A_29 = arith.constant 0 : i32
    %dma_start3A_30 = arith.constant 0 : i32
    %dma_start3A_31 = tpu.memref_slice %arg2[%dma_start3A_29, %dma_start3A_30] : memref<25088x128xf32, #tpu.memory_space<hbm>> -> memref<25088x128xf32, #tpu.memory_space<hbm>>
    tpu.enqueue_indirect_dma source(%dma_start3A_31 : memref<25088x128xf32, #tpu.memory_space<hbm>>) target(%dma_start3A_25 : memref<128x128xf32, #tpu.memory_space<vmem>>) offsets(%dma_start3A_28 : memref<128xi32, #tpu.memory_space<vmem>>) semaphore(%arg7 : memref<!tpu.dma_semaphore, #tpu.memory_space<semaphore_mem>>)
    %dma_start3A_32 = arith.constant 3 : i32
    %dma_start3A_33 = arith.constant 384 : i32
    %dma_start3A_34 = arith.constant 0 : i32
    %dma_start3A_35 = tpu.memref_slice %arg6[%dma_start3A_33, %dma_start3A_34] : memref<512x128xf32, #tpu.memory_space<vmem>> -> memref<128x128xf32, #tpu.memory_space<vmem>>
    %dma_start3A_36 = arith.constant 0 : i32
    %dma_start3A_37 = tpu.memref_slice %arg5[%dma_start3A_32, %dma_start3A_36] : memref<4x128xi32, #tpu.memory_space<vmem>> -> memref<1x128xi32, #tpu.memory_space<vmem>>
    %dma_start3A_38 = tpu.memref_squeeze %dma_start3A_37 : memref<1x128xi32, #tpu.memory_space<vmem>> -> memref<128xi32, #tpu.memory_space<vmem>>
    %dma_start3A_39 = arith.constant 0 : i32
    %dma_start3A_40 = arith.constant 0 : i32
    %dma_start3A_41 = tpu.memref_slice %arg2[%dma_start3A_39, %dma_start3A_40] : memref<25088x128xf32, #tpu.memory_space<hbm>> -> memref<25088x128xf32, #tpu.memory_space<hbm>>
    tpu.enqueue_indirect_dma source(%dma_start3A_41 : memref<25088x128xf32, #tpu.memory_space<hbm>>) target(%dma_start3A_35 : memref<128x128xf32, #tpu.memory_space<vmem>>) offsets(%dma_start3A_38 : memref<128xi32, #tpu.memory_space<vmem>>) semaphore(%arg7 : memref<!tpu.dma_semaphore, #tpu.memory_space<semaphore_mem>>)
    %dma_wait3A = arith.constant 0 : i32
    %dma_wait3A_42 = arith.constant 0 : i32
    %dma_wait3A_43 = arith.constant 0 : i32
    %dma_wait3A_44 = tpu.memref_slice %arg6[%dma_wait3A_42, %dma_wait3A_43] : memref<512x128xf32, #tpu.memory_space<vmem>> -> memref<128x128xf32, #tpu.memory_space<vmem>>
    %dma_wait3A_45 = arith.constant 0 : i32
    %dma_wait3A_46 = tpu.memref_slice %arg5[%dma_wait3A, %dma_wait3A_45] : memref<4x128xi32, #tpu.memory_space<vmem>> -> memref<1x128xi32, #tpu.memory_space<vmem>>
    %dma_wait3A_47 = tpu.memref_squeeze %dma_wait3A_46 : memref<1x128xi32, #tpu.memory_space<vmem>> -> memref<128xi32, #tpu.memory_space<vmem>>
    %dma_wait3A_48 = arith.constant 0 : i32
    %dma_wait3A_49 = arith.constant 0 : i32
    %dma_wait3A_50 = tpu.memref_slice %arg2[%dma_wait3A_48, %dma_wait3A_49] : memref<25088x128xf32, #tpu.memory_space<hbm>> -> memref<25088x128xf32, #tpu.memory_space<hbm>>
    tpu.wait_indirect_dma semaphore(%arg7 : memref<!tpu.dma_semaphore, #tpu.memory_space<semaphore_mem>>) src(%dma_wait3A_50 : memref<25088x128xf32, #tpu.memory_space<hbm>>) dst(%dma_wait3A_44 : memref<128x128xf32, #tpu.memory_space<vmem>>)
    %dma_wait3A_51 = arith.constant 1 : i32
    %dma_wait3A_52 = arith.constant 128 : i32
    %dma_wait3A_53 = arith.constant 0 : i32
    %dma_wait3A_54 = tpu.memref_slice %arg6[%dma_wait3A_52, %dma_wait3A_53] : memref<512x128xf32, #tpu.memory_space<vmem>> -> memref<128x128xf32, #tpu.memory_space<vmem>>
    %dma_wait3A_55 = arith.constant 0 : i32
    %dma_wait3A_56 = tpu.memref_slice %arg5[%dma_wait3A_51, %dma_wait3A_55] : memref<4x128xi32, #tpu.memory_space<vmem>> -> memref<1x128xi32, #tpu.memory_space<vmem>>
    %dma_wait3A_57 = tpu.memref_squeeze %dma_wait3A_56 : memref<1x128xi32, #tpu.memory_space<vmem>> -> memref<128xi32, #tpu.memory_space<vmem>>
    %dma_wait3A_58 = arith.constant 0 : i32
    %dma_wait3A_59 = arith.constant 0 : i32
    %dma_wait3A_60 = tpu.memref_slice %arg2[%dma_wait3A_58, %dma_wait3A_59] : memref<25088x128xf32, #tpu.memory_space<hbm>> -> memref<25088x128xf32, #tpu.memory_space<hbm>>
    tpu.wait_indirect_dma semaphore(%arg7 : memref<!tpu.dma_semaphore, #tpu.memory_space<semaphore_mem>>) src(%dma_wait3A_60 : memref<25088x128xf32, #tpu.memory_space<hbm>>) dst(%dma_wait3A_54 : memref<128x128xf32, #tpu.memory_space<vmem>>)
    %dma_wait3A_61 = arith.constant 2 : i32
    %dma_wait3A_62 = arith.constant 256 : i32
    %dma_wait3A_63 = arith.constant 0 : i32
    %dma_wait3A_64 = tpu.memref_slice %arg6[%dma_wait3A_62, %dma_wait3A_63] : memref<512x128xf32, #tpu.memory_space<vmem>> -> memref<128x128xf32, #tpu.memory_space<vmem>>
    %dma_wait3A_65 = arith.constant 0 : i32
    %dma_wait3A_66 = tpu.memref_slice %arg5[%dma_wait3A_61, %dma_wait3A_65] : memref<4x128xi32, #tpu.memory_space<vmem>> -> memref<1x128xi32, #tpu.memory_space<vmem>>
    %dma_wait3A_67 = tpu.memref_squeeze %dma_wait3A_66 : memref<1x128xi32, #tpu.memory_space<vmem>> -> memref<128xi32, #tpu.memory_space<vmem>>
    %dma_wait3A_68 = arith.constant 0 : i32
    %dma_wait3A_69 = arith.constant 0 : i32
    %dma_wait3A_70 = tpu.memref_slice %arg2[%dma_wait3A_68, %dma_wait3A_69] : memref<25088x128xf32, #tpu.memory_space<hbm>> -> memref<25088x128xf32, #tpu.memory_space<hbm>>
    tpu.wait_indirect_dma semaphore(%arg7 : memref<!tpu.dma_semaphore, #tpu.memory_space<semaphore_mem>>) src(%dma_wait3A_70 : memref<25088x128xf32, #tpu.memory_space<hbm>>) dst(%dma_wait3A_64 : memref<128x128xf32, #tpu.memory_space<vmem>>)
    %dma_wait3A_71 = arith.constant 3 : i32
    %dma_wait3A_72 = arith.constant 384 : i32
    %dma_wait3A_73 = arith.constant 0 : i32
    %dma_wait3A_74 = tpu.memref_slice %arg6[%dma_wait3A_72, %dma_wait3A_73] : memref<512x128xf32, #tpu.memory_space<vmem>> -> memref<128x128xf32, #tpu.memory_space<vmem>>
    %dma_wait3A_75 = arith.constant 0 : i32
    %dma_wait3A_76 = tpu.memref_slice %arg5[%dma_wait3A_71, %dma_wait3A_75] : memref<4x128xi32, #tpu.memory_space<vmem>> -> memref<1x128xi32, #tpu.memory_space<vmem>>
    %dma_wait3A_77 = tpu.memref_squeeze %dma_wait3A_76 : memref<1x128xi32, #tpu.memory_space<vmem>> -> memref<128xi32, #tpu.memory_space<vmem>>
    %dma_wait3A_78 = arith.constant 0 : i32
    %dma_wait3A_79 = arith.constant 0 : i32
    %dma_wait3A_80 = tpu.memref_slice %arg2[%dma_wait3A_78, %dma_wait3A_79] : memref<25088x128xf32, #tpu.memory_space<hbm>> -> memref<25088x128xf32, #tpu.memory_space<hbm>>
    tpu.wait_indirect_dma semaphore(%arg7 : memref<!tpu.dma_semaphore, #tpu.memory_space<semaphore_mem>>) src(%dma_wait3A_80 : memref<25088x128xf32, #tpu.memory_space<hbm>>) dst(%dma_wait3A_74 : memref<128x128xf32, #tpu.memory_space<vmem>>)
    %mul3A_81 = arith.constant 512 : i32
    %mul3A_82 = arith.muli %add3A, %mul3A_81 : i32
    "tpu.region"() ({
      %run_scoped3A = tpu.sem_alloc : memref<!tpu.dma_semaphore, #tpu.memory_space<semaphore_mem>>
      %dma_start3A_83 = arith.constant 0 : i32
      %dma_start3A_84 = tpu.memref_slice %arg4[%mul3A_82, %dma_start3A_83] : memref<16384x128xf32, #tpu.memory_space<hbm>> -> memref<512x128xf32, #tpu.memory_space<hbm>>
      %dma_start3A_85 = arith.constant 0 : i32
      %dma_start3A_86 = tpu.memref_slice %arg4[%mul3A_82, %dma_start3A_85] : memref<16384x128xf32, #tpu.memory_space<hbm>> -> memref<512x128xf32, #tpu.memory_space<hbm>>
      tpu.enqueue_dma source(%arg6 : memref<512x128xf32, #tpu.memory_space<vmem>>) target(%dma_start3A_86 : memref<512x128xf32, #tpu.memory_space<hbm>>) target_semaphore(%run_scoped3A : memref<!tpu.dma_semaphore, #tpu.memory_space<semaphore_mem>>)
      %dma_wait3A_87 = arith.constant 0 : i32
      %dma_wait3A_88 = tpu.memref_slice %arg4[%mul3A_82, %dma_wait3A_87] : memref<16384x128xf32, #tpu.memory_space<hbm>> -> memref<512x128xf32, #tpu.memory_space<hbm>>
      %dma_wait3A_89 = arith.constant 0 : i32
      %dma_wait3A_90 = tpu.memref_slice %arg4[%mul3A_82, %dma_wait3A_89] : memref<16384x128xf32, #tpu.memory_space<hbm>> -> memref<512x128xf32, #tpu.memory_space<hbm>>
      tpu.wait_dma2 semaphore(%run_scoped3A : memref<!tpu.dma_semaphore, #tpu.memory_space<semaphore_mem>>) src(%arg6 : memref<512x128xf32, #tpu.memory_space<vmem>>) dst(%dma_wait3A_90 : memref<512x128xf32, #tpu.memory_space<hbm>>)
      tpu.yield
    }) : () -> ()
    return
  }
}

#map = affine_map<(d0, d1) -> (0, 0)>
module attributes {stable_mosaic.version = 14 : i64} {
  func.func @k(%arg0: i32, %arg1: i32, %arg2: memref<250880x128xf32, #tpu.memory_space<hbm>>, %arg3: memref<128x128xi32, #tpu.memory_space<hbm>>, %arg4: memref<16384x128xf32, #tpu.memory_space<hbm>>, %arg5: memref<4x128xi32, #tpu.memory_space<vmem>>, %arg6: memref<512x128xf32, #tpu.memory_space<vmem>>, %arg7: memref<!tpu.dma_semaphore, #tpu.memory_space<semaphore_mem>>) attributes {dimension_semantics = [#tpu.dimension_semantics<core_parallel>, #tpu.dimension_semantics<subcore_parallel>], iteration_bounds = array<i64: 2, 16>, scalar_prefetch = 0 : i64, scratch_operands = 3 : i64, tpu.core_type = #tpu.core_type<sc_vector_subcore>, window_params = [{transform_indices = #map}, {transform_indices = #map}, {transform_indices = #map}]} {
    %mul3A = arith.constant 2 : i32
    %mul3A_0 = arith.muli %arg1, %mul3A : i32
    %add3A = arith.addi %mul3A_0, %arg0 : i32
    %mul3A_1 = arith.constant 4 : i32
    %mul3A_2 = arith.muli %add3A, %mul3A_1 : i32
    "tpu.region"() ({
      %run_scoped3A = tpu.sem_alloc : memref<!tpu.dma_semaphore, #tpu.memory_space<semaphore_mem>>
      %dma_start3A_83 = arith.constant 0 : i32
      %dma_start3A_84 = tpu.memref_slice %arg3[%mul3A_2, %dma_start3A_83] : memref<128x128xi32, #tpu.memory_space<hbm>> -> memref<4x128xi32, #tpu.memory_space<hbm>>
      %dma_start3A_85 = arith.constant 0 : i32
      %dma_start3A_86 = tpu.memref_slice %arg3[%mul3A_2, %dma_start3A_85] : memref<128x128xi32, #tpu.memory_space<hbm>> -> memref<4x128xi32, #tpu.memory_space<hbm>>
      tpu.enqueue_dma source(%dma_start3A_86 : memref<4x128xi32, #tpu.memory_space<hbm>>) target(%arg5 : memref<4x128xi32, #tpu.memory_space<vmem>>) target_semaphore(%run_scoped3A : memref<!tpu.dma_semaphore, #tpu.memory_space<semaphore_mem>>)
      %dma_wait3A_87 = arith.constant 0 : i32
      %dma_wait3A_88 = tpu.memref_slice %arg3[%mul3A_2, %dma_wait3A_87] : memref<128x128xi32, #tpu.memory_space<hbm>> -> memref<4x128xi32, #tpu.memory_space<hbm>>
      %dma_wait3A_89 = arith.constant 0 : i32
      %dma_wait3A_90 = tpu.memref_slice %arg3[%mul3A_2, %dma_wait3A_89] : memref<128x128xi32, #tpu.memory_space<hbm>> -> memref<4x128xi32, #tpu.memory_space<hbm>>
      tpu.wait_dma2 semaphore(%run_scoped3A : memref<!tpu.dma_semaphore, #tpu.memory_space<semaphore_mem>>) src(%dma_wait3A_90 : memref<4x128xi32, #tpu.memory_space<hbm>>) dst(%arg5 : memref<4x128xi32, #tpu.memory_space<vmem>>)
      tpu.yield
    }) : () -> ()
    %dma_start3A = arith.constant 0 : i32
    %dma_start3A_3 = arith.constant 0 : i32
    %dma_start3A_4 = arith.constant 0 : i32
    %dma_start3A_5 = tpu.memref_slice %arg6[%dma_start3A_3, %dma_start3A_4] : memref<512x128xf32, #tpu.memory_space<vmem>> -> memref<128x128xf32, #tpu.memory_space<vmem>>
    %dma_start3A_6 = arith.constant 0 : i32
    %dma_start3A_7 = tpu.memref_slice %arg5[%dma_start3A, %dma_start3A_6] : memref<4x128xi32, #tpu.memory_space<vmem>> -> memref<1x128xi32, #tpu.memory_space<vmem>>
    %dma_start3A_8 = tpu.memref_squeeze %dma_start3A_7 : memref<1x128xi32, #tpu.memory_space<vmem>> -> memref<128xi32, #tpu.memory_space<vmem>>
    %dma_start3A_9 = arith.constant 0 : i32
    %dma_start3A_10 = arith.constant 0 : i32
    %dma_start3A_11 = tpu.memref_slice %arg2[%dma_start3A_9, %dma_start3A_10] : memref<250880x128xf32, #tpu.memory_space<hbm>> -> memref<250880x128xf32, #tpu.memory_space<hbm>>
    tpu.enqueue_indirect_dma source(%dma_start3A_11 : memref<250880x128xf32, #tpu.memory_space<hbm>>) target(%dma_start3A_5 : memref<128x128xf32, #tpu.memory_space<vmem>>) offsets(%dma_start3A_8 : memref<128xi32, #tpu.memory_space<vmem>>) semaphore(%arg7 : memref<!tpu.dma_semaphore, #tpu.memory_space<semaphore_mem>>)
    %dma_start3A_12 = arith.constant 1 : i32
    %dma_start3A_13 = arith.constant 128 : i32
    %dma_start3A_14 = arith.constant 0 : i32
    %dma_start3A_15 = tpu.memref_slice %arg6[%dma_start3A_13, %dma_start3A_14] : memref<512x128xf32, #tpu.memory_space<vmem>> -> memref<128x128xf32, #tpu.memory_space<vmem>>
    %dma_start3A_16 = arith.constant 0 : i32
    %dma_start3A_17 = tpu.memref_slice %arg5[%dma_start3A_12, %dma_start3A_16] : memref<4x128xi32, #tpu.memory_space<vmem>> -> memref<1x128xi32, #tpu.memory_space<vmem>>
    %dma_start3A_18 = tpu.memref_squeeze %dma_start3A_17 : memref<1x128xi32, #tpu.memory_space<vmem>> -> memref<128xi32, #tpu.memory_space<vmem>>
    %dma_start3A_19 = arith.constant 0 : i32
    %dma_start3A_20 = arith.constant 0 : i32
    %dma_start3A_21 = tpu.memref_slice %arg2[%dma_start3A_19, %dma_start3A_20] : memref<250880x128xf32, #tpu.memory_space<hbm>> -> memref<250880x128xf32, #tpu.memory_space<hbm>>
    tpu.enqueue_indirect_dma source(%dma_start3A_21 : memref<250880x128xf32, #tpu.memory_space<hbm>>) target(%dma_start3A_15 : memref<128x128xf32, #tpu.memory_space<vmem>>) offsets(%dma_start3A_18 : memref<128xi32, #tpu.memory_space<vmem>>) semaphore(%arg7 : memref<!tpu.dma_semaphore, #tpu.memory_space<semaphore_mem>>)
    %dma_start3A_22 = arith.constant 2 : i32
    %dma_start3A_23 = arith.constant 256 : i32
    %dma_start3A_24 = arith.constant 0 : i32
    %dma_start3A_25 = tpu.memref_slice %arg6[%dma_start3A_23, %dma_start3A_24] : memref<512x128xf32, #tpu.memory_space<vmem>> -> memref<128x128xf32, #tpu.memory_space<vmem>>
    %dma_start3A_26 = arith.constant 0 : i32
    %dma_start3A_27 = tpu.memref_slice %arg5[%dma_start3A_22, %dma_start3A_26] : memref<4x128xi32, #tpu.memory_space<vmem>> -> memref<1x128xi32, #tpu.memory_space<vmem>>
    %dma_start3A_28 = tpu.memref_squeeze %dma_start3A_27 : memref<1x128xi32, #tpu.memory_space<vmem>> -> memref<128xi32, #tpu.memory_space<vmem>>
    %dma_start3A_29 = arith.constant 0 : i32
    %dma_start3A_30 = arith.constant 0 : i32
    %dma_start3A_31 = tpu.memref_slice %arg2[%dma_start3A_29, %dma_start3A_30] : memref<250880x128xf32, #tpu.memory_space<hbm>> -> memref<250880x128xf32, #tpu.memory_space<hbm>>
    tpu.enqueue_indirect_dma source(%dma_start3A_31 : memref<250880x128xf32, #tpu.memory_space<hbm>>) target(%dma_start3A_25 : memref<128x128xf32, #tpu.memory_space<vmem>>) offsets(%dma_start3A_28 : memref<128xi32, #tpu.memory_space<vmem>>) semaphore(%arg7 : memref<!tpu.dma_semaphore, #tpu.memory_space<semaphore_mem>>)
    %dma_start3A_32 = arith.constant 3 : i32
    %dma_start3A_33 = arith.constant 384 : i32
    %dma_start3A_34 = arith.constant 0 : i32
    %dma_start3A_35 = tpu.memref_slice %arg6[%dma_start3A_33, %dma_start3A_34] : memref<512x128xf32, #tpu.memory_space<vmem>> -> memref<128x128xf32, #tpu.memory_space<vmem>>
    %dma_start3A_36 = arith.constant 0 : i32
    %dma_start3A_37 = tpu.memref_slice %arg5[%dma_start3A_32, %dma_start3A_36] : memref<4x128xi32, #tpu.memory_space<vmem>> -> memref<1x128xi32, #tpu.memory_space<vmem>>
    %dma_start3A_38 = tpu.memref_squeeze %dma_start3A_37 : memref<1x128xi32, #tpu.memory_space<vmem>> -> memref<128xi32, #tpu.memory_space<vmem>>
    %dma_start3A_39 = arith.constant 0 : i32
    %dma_start3A_40 = arith.constant 0 : i32
    %dma_start3A_41 = tpu.memref_slice %arg2[%dma_start3A_39, %dma_start3A_40] : memref<250880x128xf32, #tpu.memory_space<hbm>> -> memref<250880x128xf32, #tpu.memory_space<hbm>>
    tpu.enqueue_indirect_dma source(%dma_start3A_41 : memref<250880x128xf32, #tpu.memory_space<hbm>>) target(%dma_start3A_35 : memref<128x128xf32, #tpu.memory_space<vmem>>) offsets(%dma_start3A_38 : memref<128xi32, #tpu.memory_space<vmem>>) semaphore(%arg7 : memref<!tpu.dma_semaphore, #tpu.memory_space<semaphore_mem>>)
    %dma_wait3A = arith.constant 0 : i32
    %dma_wait3A_42 = arith.constant 0 : i32
    %dma_wait3A_43 = arith.constant 0 : i32
    %dma_wait3A_44 = tpu.memref_slice %arg6[%dma_wait3A_42, %dma_wait3A_43] : memref<512x128xf32, #tpu.memory_space<vmem>> -> memref<128x128xf32, #tpu.memory_space<vmem>>
    %dma_wait3A_45 = arith.constant 0 : i32
    %dma_wait3A_46 = tpu.memref_slice %arg5[%dma_wait3A, %dma_wait3A_45] : memref<4x128xi32, #tpu.memory_space<vmem>> -> memref<1x128xi32, #tpu.memory_space<vmem>>
    %dma_wait3A_47 = tpu.memref_squeeze %dma_wait3A_46 : memref<1x128xi32, #tpu.memory_space<vmem>> -> memref<128xi32, #tpu.memory_space<vmem>>
    %dma_wait3A_48 = arith.constant 0 : i32
    %dma_wait3A_49 = arith.constant 0 : i32
    %dma_wait3A_50 = tpu.memref_slice %arg2[%dma_wait3A_48, %dma_wait3A_49] : memref<250880x128xf32, #tpu.memory_space<hbm>> -> memref<250880x128xf32, #tpu.memory_space<hbm>>
    tpu.wait_indirect_dma semaphore(%arg7 : memref<!tpu.dma_semaphore, #tpu.memory_space<semaphore_mem>>) src(%dma_wait3A_50 : memref<250880x128xf32, #tpu.memory_space<hbm>>) dst(%dma_wait3A_44 : memref<128x128xf32, #tpu.memory_space<vmem>>)
    %dma_wait3A_51 = arith.constant 1 : i32
    %dma_wait3A_52 = arith.constant 128 : i32
    %dma_wait3A_53 = arith.constant 0 : i32
    %dma_wait3A_54 = tpu.memref_slice %arg6[%dma_wait3A_52, %dma_wait3A_53] : memref<512x128xf32, #tpu.memory_space<vmem>> -> memref<128x128xf32, #tpu.memory_space<vmem>>
    %dma_wait3A_55 = arith.constant 0 : i32
    %dma_wait3A_56 = tpu.memref_slice %arg5[%dma_wait3A_51, %dma_wait3A_55] : memref<4x128xi32, #tpu.memory_space<vmem>> -> memref<1x128xi32, #tpu.memory_space<vmem>>
    %dma_wait3A_57 = tpu.memref_squeeze %dma_wait3A_56 : memref<1x128xi32, #tpu.memory_space<vmem>> -> memref<128xi32, #tpu.memory_space<vmem>>
    %dma_wait3A_58 = arith.constant 0 : i32
    %dma_wait3A_59 = arith.constant 0 : i32
    %dma_wait3A_60 = tpu.memref_slice %arg2[%dma_wait3A_58, %dma_wait3A_59] : memref<250880x128xf32, #tpu.memory_space<hbm>> -> memref<250880x128xf32, #tpu.memory_space<hbm>>
    tpu.wait_indirect_dma semaphore(%arg7 : memref<!tpu.dma_semaphore, #tpu.memory_space<semaphore_mem>>) src(%dma_wait3A_60 : memref<250880x128xf32, #tpu.memory_space<hbm>>) dst(%dma_wait3A_54 : memref<128x128xf32, #tpu.memory_space<vmem>>)
    %dma_wait3A_61 = arith.constant 2 : i32
    %dma_wait3A_62 = arith.constant 256 : i32
    %dma_wait3A_63 = arith.constant 0 : i32
    %dma_wait3A_64 = tpu.memref_slice %arg6[%dma_wait3A_62, %dma_wait3A_63] : memref<512x128xf32, #tpu.memory_space<vmem>> -> memref<128x128xf32, #tpu.memory_space<vmem>>
    %dma_wait3A_65 = arith.constant 0 : i32
    %dma_wait3A_66 = tpu.memref_slice %arg5[%dma_wait3A_61, %dma_wait3A_65] : memref<4x128xi32, #tpu.memory_space<vmem>> -> memref<1x128xi32, #tpu.memory_space<vmem>>
    %dma_wait3A_67 = tpu.memref_squeeze %dma_wait3A_66 : memref<1x128xi32, #tpu.memory_space<vmem>> -> memref<128xi32, #tpu.memory_space<vmem>>
    %dma_wait3A_68 = arith.constant 0 : i32
    %dma_wait3A_69 = arith.constant 0 : i32
    %dma_wait3A_70 = tpu.memref_slice %arg2[%dma_wait3A_68, %dma_wait3A_69] : memref<250880x128xf32, #tpu.memory_space<hbm>> -> memref<250880x128xf32, #tpu.memory_space<hbm>>
    tpu.wait_indirect_dma semaphore(%arg7 : memref<!tpu.dma_semaphore, #tpu.memory_space<semaphore_mem>>) src(%dma_wait3A_70 : memref<250880x128xf32, #tpu.memory_space<hbm>>) dst(%dma_wait3A_64 : memref<128x128xf32, #tpu.memory_space<vmem>>)
    %dma_wait3A_71 = arith.constant 3 : i32
    %dma_wait3A_72 = arith.constant 384 : i32
    %dma_wait3A_73 = arith.constant 0 : i32
    %dma_wait3A_74 = tpu.memref_slice %arg6[%dma_wait3A_72, %dma_wait3A_73] : memref<512x128xf32, #tpu.memory_space<vmem>> -> memref<128x128xf32, #tpu.memory_space<vmem>>
    %dma_wait3A_75 = arith.constant 0 : i32
    %dma_wait3A_76 = tpu.memref_slice %arg5[%dma_wait3A_71, %dma_wait3A_75] : memref<4x128xi32, #tpu.memory_space<vmem>> -> memref<1x128xi32, #tpu.memory_space<vmem>>
    %dma_wait3A_77 = tpu.memref_squeeze %dma_wait3A_76 : memref<1x128xi32, #tpu.memory_space<vmem>> -> memref<128xi32, #tpu.memory_space<vmem>>
    %dma_wait3A_78 = arith.constant 0 : i32
    %dma_wait3A_79 = arith.constant 0 : i32
    %dma_wait3A_80 = tpu.memref_slice %arg2[%dma_wait3A_78, %dma_wait3A_79] : memref<250880x128xf32, #tpu.memory_space<hbm>> -> memref<250880x128xf32, #tpu.memory_space<hbm>>
    tpu.wait_indirect_dma semaphore(%arg7 : memref<!tpu.dma_semaphore, #tpu.memory_space<semaphore_mem>>) src(%dma_wait3A_80 : memref<250880x128xf32, #tpu.memory_space<hbm>>) dst(%dma_wait3A_74 : memref<128x128xf32, #tpu.memory_space<vmem>>)
    %mul3A_81 = arith.constant 512 : i32
    %mul3A_82 = arith.muli %add3A, %mul3A_81 : i32
    "tpu.region"() ({
      %run_scoped3A = tpu.sem_alloc : memref<!tpu.dma_semaphore, #tpu.memory_space<semaphore_mem>>
      %dma_start3A_83 = arith.constant 0 : i32
      %dma_start3A_84 = tpu.memref_slice %arg4[%mul3A_82, %dma_start3A_83] : memref<16384x128xf32, #tpu.memory_space<hbm>> -> memref<512x128xf32, #tpu.memory_space<hbm>>
      %dma_start3A_85 = arith.constant 0 : i32
      %dma_start3A_86 = tpu.memref_slice %arg4[%mul3A_82, %dma_start3A_85] : memref<16384x128xf32, #tpu.memory_space<hbm>> -> memref<512x128xf32, #tpu.memory_space<hbm>>
      tpu.enqueue_dma source(%arg6 : memref<512x128xf32, #tpu.memory_space<vmem>>) target(%dma_start3A_86 : memref<512x128xf32, #tpu.memory_space<hbm>>) target_semaphore(%run_scoped3A : memref<!tpu.dma_semaphore, #tpu.memory_space<semaphore_mem>>)
      %dma_wait3A_87 = arith.constant 0 : i32
      %dma_wait3A_88 = tpu.memref_slice %arg4[%mul3A_82, %dma_wait3A_87] : memref<16384x128xf32, #tpu.memory_space<hbm>> -> memref<512x128xf32, #tpu.memory_space<hbm>>
      %dma_wait3A_89 = arith.constant 0 : i32
      %dma_wait3A_90 = tpu.memref_slice %arg4[%mul3A_82, %dma_wait3A_89] : memref<16384x128xf32, #tpu.memory_space<hbm>> -> memref<512x128xf32, #tpu.memory_space<hbm>>
      tpu.wait_dma2 semaphore(%run_scoped3A : memref<!tpu.dma_semaphore, #tpu.memory_space<semaphore_mem>>) src(%arg6 : memref<512x128xf32, #tpu.memory_space<vmem>>) dst(%dma_wait3A_90 : memref<512x128xf32, #tpu.memory_space<hbm>>)
      tpu.yield
    }) : () -> ()
    return
  }
}

module attributes {stable_mosaic.version = 14 : i64} {
  func.func @_regroup_body(%arg0: i32, %arg1: memref<32x12544xf32, #tpu.memory_space<vmem>>, %arg2: memref<32x12544xf32, #tpu.memory_space<vmem>>, %arg3: memref<32x12544xf32, #tpu.memory_space<vmem>>, %arg4: memref<32x12544xf32, #tpu.memory_space<vmem>>, %arg5: memref<12544x128xf32, #tpu.memory_space<vmem>>) attributes {dimension_semantics = [#tpu.dimension_semantics<arbitrary>], iteration_bounds = array<i64: 20>, scalar_prefetch = 0 : i64, scratch_operands = 0 : i64, tpu.core_type = #tpu.core_type<tc>, window_params = [{transform_indices = @transform_0, window_bounds = array<i64: 32, 12544>}, {transform_indices = @transform_1, window_bounds = array<i64: 32, 12544>}, {transform_indices = @transform_2, window_bounds = array<i64: 32, 12544>}, {transform_indices = @transform_3, window_bounds = array<i64: 32, 12544>}, {transform_indices = @transform_4, window_bounds = array<i64: 12544, 128>}]} {
    %get3A = arith.constant 0 : index
    %get3A_0 = arith.constant 0 : index
    %get3A_1 = vector.load %arg1[%get3A, %get3A_0] : memref<32x12544xf32, #tpu.memory_space<vmem>>, vector<32x12544xf32>
    %get3A_2 = arith.constant 0 : index
    %get3A_3 = arith.constant 0 : index
    %get3A_4 = vector.load %arg2[%get3A_2, %get3A_3] : memref<32x12544xf32, #tpu.memory_space<vmem>>, vector<32x12544xf32>
    %get3A_5 = arith.constant 0 : index
    %get3A_6 = arith.constant 0 : index
    %get3A_7 = vector.load %arg3[%get3A_5, %get3A_6] : memref<32x12544xf32, #tpu.memory_space<vmem>>, vector<32x12544xf32>
    %get3A_8 = arith.constant 0 : index
    %get3A_9 = arith.constant 0 : index
    %get3A_10 = vector.load %arg4[%get3A_8, %get3A_9] : memref<32x12544xf32, #tpu.memory_space<vmem>>, vector<32x12544xf32>
    %concatenate3A = tpu.concatenate %get3A_1, %get3A_4, %get3A_7, %get3A_10 in 0 : vector<32x12544xf32>, vector<32x12544xf32>, vector<32x12544xf32>, vector<32x12544xf32> -> vector<128x12544xf32>
    %iota3A = tpu.iota {dimensions = array<i32: 0>} : vector<128x128xi32>
    %iota3A_11 = tpu.iota {dimensions = array<i32: 1>} : vector<128x128xi32>
    %add3A = arith.constant 0 : i32
    %add3A_12 = vector.broadcast %add3A : i32 to vector<128x128xi32>
    %add3A_13 = arith.addi %iota3A, %add3A_12 : vector<128x128xi32>
    %eq3A = arith.cmpi eq, %add3A_13, %iota3A_11 : vector<128x128xi32>
    %convert_element_type3A = arith.extui %eq3A : vector<128x128xi1> to vector<128x128xi32>
    %convert_element_type3A_14 = arith.sitofp %convert_element_type3A : vector<128x128xi32> to vector<128x128xf32>
    %dot_general3A = arith.constant dense<0.000000e+00> : vector<12544x128xf32>
    %dot_general3A_15 = tpu.matmul %concatenate3A, %convert_element_type3A_14, %dot_general3A {dimension_numbers = #tpu.dot_dimension_numbers<[0], [0], [1], [1], [0, 1, 1, 1], [], []>, transpose_lhs_hint = false} : vector<128x12544xf32>, vector<128x128xf32>, vector<12544x128xf32> -> vector<12544x128xf32>
    %swap3A = arith.constant 0 : index
    %swap3A_16 = arith.constant 0 : index
    %swap3A_17 = vector.load %arg5[%swap3A, %swap3A_16] : memref<12544x128xf32, #tpu.memory_space<vmem>>, vector<12544x128xf32>
    tpu.vector_store %arg5[%swap3A, %swap3A_16], %dot_general3A_15 {strides = array<i32>} : memref<12544x128xf32, #tpu.memory_space<vmem>>, vector<12544x128xf32>,
    return
  }
  func.func @transform_0(%arg0: i32) -> (i32, i32) {
    %add3A = arith.constant 0 : i32
    %add3A_0 = arith.addi %add3A, %arg0 : i32
    %c0_i32 = arith.constant 0 : i32
    %c0_i32_1 = arith.constant 0 : i32
    return %c0_i32, %add3A_0 : i32, i32
  }
  func.func @transform_1(%arg0: i32) -> (i32, i32) {
    %add3A = arith.constant 20 : i32
    %add3A_0 = arith.addi %add3A, %arg0 : i32
    %c0_i32 = arith.constant 0 : i32
    %c0_i32_1 = arith.constant 0 : i32
    return %c0_i32, %add3A_0 : i32, i32
  }
  func.func @transform_2(%arg0: i32) -> (i32, i32) {
    %add3A = arith.constant 40 : i32
    %add3A_0 = arith.addi %add3A, %arg0 : i32
    %c0_i32 = arith.constant 0 : i32
    %c0_i32_1 = arith.constant 0 : i32
    return %c0_i32, %add3A_0 : i32, i32
  }
  func.func @transform_3(%arg0: i32) -> (i32, i32) {
    %add3A = arith.constant 60 : i32
    %add3A_0 = arith.addi %add3A, %arg0 : i32
    %c0_i32 = arith.constant 0 : i32
    %c0_i32_1 = arith.constant 0 : i32
    return %c0_i32, %add3A_0 : i32, i32
  }
  func.func @transform_4(%arg0: i32) -> (i32, i32) {
    %c0_i32 = arith.constant 0 : i32
    %c0_i32_0 = arith.constant 0 : i32
    return %arg0, %c0_i32 : i32, i32
  }
}

module attributes {stable_mosaic.version = 14 : i64} {
  func.func @_regroup_body(%arg0: i32, %arg1: memref<32x12544xf32, #tpu.memory_space<vmem>>, %arg2: memref<32x12544xf32, #tpu.memory_space<vmem>>, %arg3: memref<32x12544xf32, #tpu.memory_space<vmem>>, %arg4: memref<32x12544xf32, #tpu.memory_space<vmem>>, %arg5: memref<12544x128xf32, #tpu.memory_space<vmem>>) attributes {dimension_semantics = [#tpu.dimension_semantics<arbitrary>], iteration_bounds = array<i64: 2>, scalar_prefetch = 0 : i64, scratch_operands = 0 : i64, tpu.core_type = #tpu.core_type<tc>, window_params = [{transform_indices = @transform_0, window_bounds = array<i64: 32, 12544>}, {transform_indices = @transform_1, window_bounds = array<i64: 32, 12544>}, {transform_indices = @transform_2, window_bounds = array<i64: 32, 12544>}, {transform_indices = @transform_3, window_bounds = array<i64: 32, 12544>}, {transform_indices = @transform_4, window_bounds = array<i64: 12544, 128>}]} {
    %get3A = arith.constant 0 : index
    %get3A_0 = arith.constant 0 : index
    %get3A_1 = vector.load %arg1[%get3A, %get3A_0] : memref<32x12544xf32, #tpu.memory_space<vmem>>, vector<32x12544xf32>
    %get3A_2 = arith.constant 0 : index
    %get3A_3 = arith.constant 0 : index
    %get3A_4 = vector.load %arg2[%get3A_2, %get3A_3] : memref<32x12544xf32, #tpu.memory_space<vmem>>, vector<32x12544xf32>
    %get3A_5 = arith.constant 0 : index
    %get3A_6 = arith.constant 0 : index
    %get3A_7 = vector.load %arg3[%get3A_5, %get3A_6] : memref<32x12544xf32, #tpu.memory_space<vmem>>, vector<32x12544xf32>
    %get3A_8 = arith.constant 0 : index
    %get3A_9 = arith.constant 0 : index
    %get3A_10 = vector.load %arg4[%get3A_8, %get3A_9] : memref<32x12544xf32, #tpu.memory_space<vmem>>, vector<32x12544xf32>
    %concatenate3A = tpu.concatenate %get3A_1, %get3A_4, %get3A_7, %get3A_10 in 0 : vector<32x12544xf32>, vector<32x12544xf32>, vector<32x12544xf32>, vector<32x12544xf32> -> vector<128x12544xf32>
    %iota3A = tpu.iota {dimensions = array<i32: 0>} : vector<128x128xi32>
    %iota3A_11 = tpu.iota {dimensions = array<i32: 1>} : vector<128x128xi32>
    %add3A = arith.constant 0 : i32
    %add3A_12 = vector.broadcast %add3A : i32 to vector<128x128xi32>
    %add3A_13 = arith.addi %iota3A, %add3A_12 : vector<128x128xi32>
    %eq3A = arith.cmpi eq, %add3A_13, %iota3A_11 : vector<128x128xi32>
    %convert_element_type3A = arith.extui %eq3A : vector<128x128xi1> to vector<128x128xi32>
    %convert_element_type3A_14 = arith.sitofp %convert_element_type3A : vector<128x128xi32> to vector<128x128xf32>
    %dot_general3A = arith.constant dense<0.000000e+00> : vector<12544x128xf32>
    %dot_general3A_15 = tpu.matmul %concatenate3A, %convert_element_type3A_14, %dot_general3A {dimension_numbers = #tpu.dot_dimension_numbers<[0], [0], [1], [1], [0, 1, 1, 1], [], []>, transpose_lhs_hint = false} : vector<128x12544xf32>, vector<128x128xf32>, vector<12544x128xf32> -> vector<12544x128xf32>
    %swap3A = arith.constant 0 : index
    %swap3A_16 = arith.constant 0 : index
    %swap3A_17 = vector.load %arg5[%swap3A, %swap3A_16] : memref<12544x128xf32, #tpu.memory_space<vmem>>, vector<12544x128xf32>
    tpu.vector_store %arg5[%swap3A, %swap3A_16], %dot_general3A_15 {strides = array<i32>} : memref<12544x128xf32, #tpu.memory_space<vmem>>, vector<12544x128xf32>,
    return
  }
  func.func @transform_0(%arg0: i32) -> (i32, i32) {
    %add3A = arith.constant 0 : i32
    %add3A_0 = arith.addi %add3A, %arg0 : i32
    %c0_i32 = arith.constant 0 : i32
    %c0_i32_1 = arith.constant 0 : i32
    return %c0_i32, %add3A_0 : i32, i32
  }
  func.func @transform_1(%arg0: i32) -> (i32, i32) {
    %add3A = arith.constant 2 : i32
    %add3A_0 = arith.addi %add3A, %arg0 : i32
    %c0_i32 = arith.constant 0 : i32
    %c0_i32_1 = arith.constant 0 : i32
    return %c0_i32, %add3A_0 : i32, i32
  }
  func.func @transform_2(%arg0: i32) -> (i32, i32) {
    %add3A = arith.constant 4 : i32
    %add3A_0 = arith.addi %add3A, %arg0 : i32
    %c0_i32 = arith.constant 0 : i32
    %c0_i32_1 = arith.constant 0 : i32
    return %c0_i32, %add3A_0 : i32, i32
  }
  func.func @transform_3(%arg0: i32) -> (i32, i32) {
    %add3A = arith.constant 6 : i32
    %add3A_0 = arith.addi %add3A, %arg0 : i32
    %c0_i32 = arith.constant 0 : i32
    %c0_i32_1 = arith.constant 0 : i32
    return %c0_i32, %add3A_0 : i32, i32
  }
  func.func @transform_4(%arg0: i32) -> (i32, i32) {
    %c0_i32 = arith.constant 0 : i32
    %c0_i32_0 = arith.constant 0 : i32
    return %arg0, %c0_i32 : i32, i32
  }
}

module attributes {stable_mosaic.version = 14 : i64} {
  func.func @_mlp_body(%arg0: i32, %arg1: memref<2048x128xf32, #tpu.memory_space<vmem>>, %arg2: memref<2048x128xf32, #tpu.memory_space<vmem>>, %arg3: memref<4x2048xf32, #tpu.memory_space<vmem>>, %arg4: memref<128x128xf32, #tpu.memory_space<vmem>>, %arg5: memref<128x128xf32, #tpu.memory_space<vmem>>, %arg6: memref<2x128xf32, #tpu.memory_space<vmem>>, %arg7: memref<1x128xf32, #tpu.memory_space<vmem>>, %arg8: memref<128x64xf32, #tpu.memory_space<vmem>>, %arg9: memref<1x64xf32, #tpu.memory_space<vmem>>, %arg10: memref<1x64xf32, #tpu.memory_space<vmem>>, %arg11: memref<1x1xf32, #tpu.memory_space<vmem>>, %arg12: memref<2048x1xf32, #tpu.memory_space<vmem>>) attributes {dimension_semantics = [#tpu.dimension_semantics<arbitrary>], iteration_bounds = array<i64: 8>, scalar_prefetch = 0 : i64, scratch_operands = 0 : i64, tpu.core_type = #tpu.core_type<tc>, window_params = [{transform_indices = @transform_0, window_bounds = array<i64: 2048, 128>}, {transform_indices = @transform_1, window_bounds = array<i64: 2048, 128>}, {transform_indices = @transform_2, window_bounds = array<i64: 4, 2048>}, {pipeline_mode = #tpu.pipeline_mode<synchronous>, transform_indices = @transform_3, window_bounds = array<i64: 128, 128>}, {pipeline_mode = #tpu.pipeline_mode<synchronous>, transform_indices = @transform_4, window_bounds = array<i64: 128, 128>}, {pipeline_mode = #tpu.pipeline_mode<synchronous>, transform_indices = @transform_5, window_bounds = array<i64: 2, 128>}, {pipeline_mode = #tpu.pipeline_mode<synchronous>, transform_indices = @transform_6, window_bounds = array<i64: 1, 128>}, {pipeline_mode = #tpu.pipeline_mode<synchronous>, transform_indices = @transform_7, window_bounds = array<i64: 128, 64>}, {pipeline_mode = #tpu.pipeline_mode<synchronous>, transform_indices = @transform_8, window_bounds = array<i64: 1, 64>}, {pipeline_mode = #tpu.pipeline_mode<synchronous>, transform_indices = @transform_9, window_bounds = array<i64: 1, 64>}, {pipeline_mode = #tpu.pipeline_mode<synchronous>, transform_indices = @transform_10, window_bounds = array<i64: 1, 1>}, {transform_indices = @transform_11, window_bounds = array<i64: 2048, 1>}]} {
    %get3A = arith.constant 0 : index
    %get3A_0 = arith.constant 0 : index
    %get3A_1 = vector.load %arg3[%get3A, %get3A_0] : memref<4x2048xf32, #tpu.memory_space<vmem>>, vector<4x2048xf32>
    %transpose3A = tpu.transpose %get3A_1, [1, 0] : vector<4x2048xf32> -> vector<2048x4xf32>
    %slice3A = vector.extract_strided_slice %transpose3A {offsets = [0, 0], sizes = [2048, 1], strides = [1, 1]} : vector<2048x4xf32> to vector<2048x1xf32>
    %convert_element_type3A = arith.fptosi %slice3A : vector<2048x1xf32> to vector<2048x1xi32>
    %slice3A_2 = vector.extract_strided_slice %transpose3A {offsets = [0, 1], sizes = [2048, 1], strides = [1, 1]} : vector<2048x4xf32> to vector<2048x1xf32>
    %convert_element_type3A_3 = arith.fptosi %slice3A_2 : vector<2048x1xf32> to vector<2048x1xi32>
    %slice3A_4 = vector.extract_strided_slice %transpose3A {offsets = [0, 2], sizes = [2048, 1], strides = [1, 1]} : vector<2048x4xf32> to vector<2048x1xf32>
    %slice3A_5 = vector.extract_strided_slice %transpose3A {offsets = [0, 3], sizes = [2048, 1], strides = [1, 1]} : vector<2048x4xf32> to vector<2048x1xf32>
    %iota3A = tpu.iota {dimensions = array<i32: 1>} : vector<2048x128xi32>
    %jit3A = arith.constant 32 : i32
    %div3A = vector.broadcast %jit3A : i32 to vector<2048x128xi32>
    %div3A_6 = arith.divsi %iota3A, %div3A : vector<2048x128xi32>
    %sign3A = arith.constant 0 : i32
    %sign3A_7 = vector.broadcast %sign3A : i32 to vector<2048x128xi32>
    %sign3A_8 = arith.cmpi sgt, %iota3A, %sign3A_7 : vector<2048x128xi32>
    %sign3A_9 = arith.extui %sign3A_8 : vector<2048x128xi1> to vector<2048x128xi32>
    %sign3A_10 = arith.constant 0 : i32
    %sign3A_11 = vector.broadcast %sign3A_10 : i32 to vector<2048x128xi32>
    %sign3A_12 = arith.cmpi slt, %iota3A, %sign3A_11 : vector<2048x128xi32>
    %sign3A_13 = arith.extui %sign3A_12 : vector<2048x128xi1> to vector<2048x128xi32>
    %sign3A_14 = arith.subi %sign3A_9, %sign3A_13 : vector<2048x128xi32>
    %sign3A_15 = arith.constant 0 : i32
    %sign3A_16 = arith.cmpi sgt, %jit3A, %sign3A_15 : i32
    %sign3A_17 = arith.extui %sign3A_16 : i1 to i32
    %sign3A_18 = arith.constant 0 : i32
    %sign3A_19 = arith.cmpi slt, %jit3A, %sign3A_18 : i32
    %sign3A_20 = arith.extui %sign3A_19 : i1 to i32
    %sign3A_21 = arith.subi %sign3A_17, %sign3A_20 : i32
    %ne3A = vector.broadcast %sign3A_21 : i32 to vector<2048x128xi32>
    %ne3A_22 = arith.cmpi ne, %sign3A_14, %ne3A : vector<2048x128xi32>
    %rem3A = vector.broadcast %jit3A : i32 to vector<2048x128xi32>
    %rem3A_23 = arith.remsi %iota3A, %rem3A : vector<2048x128xi32>
    %ne3A_24 = arith.constant 0 : i32
    %ne3A_25 = vector.broadcast %ne3A_24 : i32 to vector<2048x128xi32>
    %ne3A_26 = arith.cmpi ne, %rem3A_23, %ne3A_25 : vector<2048x128xi32>
    %and3A = arith.andi %ne3A_22, %ne3A_26 : vector<2048x128xi1>
    %sub3A = arith.constant 1 : i32
    %sub3A_27 = vector.broadcast %sub3A : i32 to vector<2048x128xi32>
    %sub3A_28 = arith.subi %div3A_6, %sub3A_27 : vector<2048x128xi32>
    %select_n3A = arith.select %and3A, %sub3A_28, %div3A_6 : vector<2048x128xi1>, vector<2048x128xi32>
    %eq3A = vector.broadcast %convert_element_type3A : vector<2048x1xi32> to vector<2048x128xi32>
    %eq3A_29 = arith.cmpi eq, %select_n3A, %eq3A : vector<2048x128xi32>
    %get3A_30 = arith.constant 0 : index
    %get3A_31 = arith.constant 0 : index
    %get3A_32 = vector.load %arg1[%get3A_30, %get3A_31] : memref<2048x128xf32, #tpu.memory_space<vmem>>, vector<2048x128xf32>
    %jit3A_33 = arith.constant 0.000000e+00 : f32
    %broadcast_in_dim3A = vector.broadcast %jit3A_33 : f32 to vector<2048x128xf32>
    %select_n3A_34 = arith.select %eq3A_29, %get3A_32, %broadcast_in_dim3A : vector<2048x128xi1>, vector<2048x128xf32>
    %eq3A_35 = vector.broadcast %convert_element_type3A_3 : vector<2048x1xi32> to vector<2048x128xi32>
    %eq3A_36 = arith.cmpi eq, %select_n3A, %eq3A_35 : vector<2048x128xi32>
    %get3A_37 = arith.constant 0 : index
    %get3A_38 = arith.constant 0 : index
    %get3A_39 = vector.load %arg2[%get3A_37, %get3A_38] : memref<2048x128xf32, #tpu.memory_space<vmem>>, vector<2048x128xf32>
    %jit3A_40 = arith.constant 0.000000e+00 : f32
    %broadcast_in_dim3A_41 = vector.broadcast %jit3A_40 : f32 to vector<2048x128xf32>
    %select_n3A_42 = arith.select %eq3A_36, %get3A_39, %broadcast_in_dim3A_41 : vector<2048x128xi1>, vector<2048x128xf32>
    %get3A_43 = arith.constant 0 : index
    %get3A_44 = arith.constant 0 : index
    %get3A_45 = vector.load %arg4[%get3A_43, %get3A_44] : memref<128x128xf32, #tpu.memory_space<vmem>>, vector<128x128xf32>
    %dot_general3A = arith.constant dense<0.000000e+00> : vector<2048x128xf32>
    %dot_general3A_46 = tpu.matmul %select_n3A_34, %get3A_45, %dot_general3A {dimension_numbers = #tpu.dot_dimension_numbers<[1], [0], [0], [1], [0, 0, 1, 1], [], []>, transpose_lhs_hint = false} : vector<2048x128xf32>, vector<128x128xf32>, vector<2048x128xf32> -> vector<2048x128xf32>
    %get3A_47 = arith.constant 0 : index
    %get3A_48 = arith.constant 0 : index
    %get3A_49 = vector.load %arg5[%get3A_47, %get3A_48] : memref<128x128xf32, #tpu.memory_space<vmem>>, vector<128x128xf32>
    %dot_general3A_50 = arith.constant dense<0.000000e+00> : vector<2048x128xf32>
    %dot_general3A_51 = tpu.matmul %select_n3A_42, %get3A_49, %dot_general3A_50 {dimension_numbers = #tpu.dot_dimension_numbers<[1], [0], [0], [1], [0, 0, 1, 1], [], []>, transpose_lhs_hint = false} : vector<2048x128xf32>, vector<128x128xf32>, vector<2048x128xf32> -> vector<2048x128xf32>
    %add3A = arith.addf %dot_general3A_46, %dot_general3A_51 : vector<2048x128xf32>
    %get3A_52 = arith.constant 0 : index
    %get3A_53 = arith.constant 0 : index
    %get3A_54 = vector.load %arg6[%get3A_52, %get3A_53] : memref<2x128xf32, #tpu.memory_space<vmem>>, vector<2x128xf32>
    %slice3A_55 = vector.extract_strided_slice %get3A_54 {offsets = [0, 0], sizes = [1, 128], strides = [1, 1]} : vector<2x128xf32> to vector<1x128xf32>
    %mul3A = vector.broadcast %slice3A_4 : vector<2048x1xf32> to vector<2048x128xf32>
    %mul3A_56 = vector.broadcast %slice3A_55 : vector<1x128xf32> to vector<2048x128xf32>
    %mul3A_57 = arith.mulf %mul3A, %mul3A_56 : vector<2048x128xf32>
    %add3A_58 = arith.addf %add3A, %mul3A_57 : vector<2048x128xf32>
    %slice3A_59 = vector.extract_strided_slice %get3A_54 {offsets = [1, 0], sizes = [1, 128], strides = [1, 1]} : vector<2x128xf32> to vector<1x128xf32>
    %mul3A_60 = vector.broadcast %slice3A_5 : vector<2048x1xf32> to vector<2048x128xf32>
    %mul3A_61 = vector.broadcast %slice3A_59 : vector<1x128xf32> to vector<2048x128xf32>
    %mul3A_62 = arith.mulf %mul3A_60, %mul3A_61 : vector<2048x128xf32>
    %add3A_63 = arith.addf %add3A_58, %mul3A_62 : vector<2048x128xf32>
    %get3A_64 = arith.constant 0 : index
    %get3A_65 = arith.constant 0 : index
    %get3A_66 = vector.load %arg7[%get3A_64, %get3A_65] : memref<1x128xf32, #tpu.memory_space<vmem>>, vector<1x128xf32>
    %add3A_67 = vector.broadcast %get3A_66 : vector<1x128xf32> to vector<2048x128xf32>
    %add3A_68 = arith.addf %add3A_63, %add3A_67 : vector<2048x128xf32>
    %max3A = arith.constant 0.000000e+00 : f32
    %max3A_69 = vector.broadcast %max3A : f32 to vector<2048x128xf32>
    %max3A_70 = arith.maximumf %add3A_68, %max3A_69 : vector<2048x128xf32>
    %get3A_71 = arith.constant 0 : index
    %get3A_72 = arith.constant 0 : index
    %get3A_73 = vector.load %arg8[%get3A_71, %get3A_72] : memref<128x64xf32, #tpu.memory_space<vmem>>, vector<128x64xf32>
    %dot_general3A_74 = arith.constant dense<0.000000e+00> : vector<2048x64xf32>
    %dot_general3A_75 = tpu.matmul %max3A_70, %get3A_73, %dot_general3A_74 {dimension_numbers = #tpu.dot_dimension_numbers<[1], [0], [0], [1], [0, 0, 1, 1], [], []>, transpose_lhs_hint = false} : vector<2048x128xf32>, vector<128x64xf32>, vector<2048x64xf32> -> vector<2048x64xf32>
    %get3A_76 = arith.constant 0 : index
    %get3A_77 = arith.constant 0 : index
    %get3A_78 = vector.load %arg9[%get3A_76, %get3A_77] : memref<1x64xf32, #tpu.memory_space<vmem>>, vector<1x64xf32>
    %add3A_79 = vector.broadcast %get3A_78 : vector<1x64xf32> to vector<2048x64xf32>
    %add3A_80 = arith.addf %dot_general3A_75, %add3A_79 : vector<2048x64xf32>
    %max3A_81 = arith.constant 0.000000e+00 : f32
    %max3A_82 = vector.broadcast %max3A_81 : f32 to vector<2048x64xf32>
    %max3A_83 = arith.maximumf %add3A_80, %max3A_82 : vector<2048x64xf32>
    %get3A_84 = arith.constant 0 : index
    %get3A_85 = arith.constant 0 : index
    %get3A_86 = vector.load %arg10[%get3A_84, %get3A_85] : memref<1x64xf32, #tpu.memory_space<vmem>>, vector<1x64xf32>
    %mul3A_87 = vector.broadcast %get3A_86 : vector<1x64xf32> to vector<2048x64xf32>
    %mul3A_88 = arith.mulf %max3A_83, %mul3A_87 : vector<2048x64xf32>
    %reduce_sum3A = arith.constant dense<0.000000e+00> : vector<2048xf32>
    %reduce_sum3A_89 = vector.multi_reduction <add>, %mul3A_88, %reduce_sum3A [1] : vector<2048x64xf32> to vector<2048xf32>
    %broadcast_in_dim3A_90 = vector.shape_cast %reduce_sum3A_89 : vector<2048xf32> to vector<2048x1xf32>
    %get3A_91 = arith.constant 0 : index
    %get3A_92 = arith.constant 0 : index
    %get3A_93 = vector.load %arg11[%get3A_91, %get3A_92] : memref<1x1xf32, #tpu.memory_space<vmem>>, vector<1x1xf32>
    %add3A_94 = vector.broadcast %get3A_93 : vector<1x1xf32> to vector<2048x1xf32>
    %add3A_95 = arith.addf %broadcast_in_dim3A_90, %add3A_94 : vector<2048x1xf32>
    %logistic3A = arith.negf %add3A_95 : vector<2048x1xf32>
    %logistic3A_96 = math.exp %logistic3A : vector<2048x1xf32>
    %logistic3A_97 = arith.constant 1.000000e+00 : f32
    %logistic3A_98 = vector.broadcast %logistic3A_97 : f32 to vector<2048x1xf32>
    %logistic3A_99 = arith.addf %logistic3A_98, %logistic3A_96 : vector<2048x1xf32>
    %logistic3A_100 = arith.divf %logistic3A_98, %logistic3A_99 : vector<2048x1xf32>
    %swap3A = arith.constant 0 : index
    %swap3A_101 = arith.constant 0 : index
    %swap3A_102 = vector.load %arg12[%swap3A, %swap3A_101] : memref<2048x1xf32, #tpu.memory_space<vmem>>, vector<2048x1xf32>
    tpu.vector_store %arg12[%swap3A, %swap3A_101], %logistic3A_100 {strides = array<i32>} : memref<2048x1xf32, #tpu.memory_space<vmem>>, vector<2048x1xf32>,
    return
  }
  func.func @transform_0(%arg0: i32) -> (i32, i32) {
    %c0_i32 = arith.constant 0 : i32
    %c0_i32_0 = arith.constant 0 : i32
    return %arg0, %c0_i32 : i32, i32
  }
  func.func @transform_1(%arg0: i32) -> (i32, i32) {
    %c0_i32 = arith.constant 0 : i32
    %c0_i32_0 = arith.constant 0 : i32
    return %arg0, %c0_i32 : i32, i32
  }
  func.func @transform_2(%arg0: i32) -> (i32, i32) {
    %c0_i32 = arith.constant 0 : i32
    %c0_i32_0 = arith.constant 0 : i32
    return %c0_i32, %arg0 : i32, i32
  }
  func.func @transform_3(%arg0: i32) -> (i32, i32) {
    %c0_i32 = arith.constant 0 : i32
    %c0_i32_0 = arith.constant 0 : i32
    %c0_i32_1 = arith.constant 0 : i32
    return %c0_i32, %c0_i32_0 : i32, i32
  }
  func.func @transform_4(%arg0: i32) -> (i32, i32) {
    %c0_i32 = arith.constant 0 : i32
    %c0_i32_0 = arith.constant 0 : i32
    %c0_i32_1 = arith.constant 0 : i32
    return %c0_i32, %c0_i32_0 : i32, i32
  }
  func.func @transform_5(%arg0: i32) -> (i32, i32) {
    %c0_i32 = arith.constant 0 : i32
    %c0_i32_0 = arith.constant 0 : i32
    %c0_i32_1 = arith.constant 0 : i32
    return %c0_i32, %c0_i32_0 : i32, i32
  }
  func.func @transform_6(%arg0: i32) -> (i32, i32) {
    %c0_i32 = arith.constant 0 : i32
    %c0_i32_0 = arith.constant 0 : i32
    %c0_i32_1 = arith.constant 0 : i32
    return %c0_i32, %c0_i32_0 : i32, i32
  }
  func.func @transform_7(%arg0: i32) -> (i32, i32) {
    %c0_i32 = arith.constant 0 : i32
    %c0_i32_0 = arith.constant 0 : i32
    %c0_i32_1 = arith.constant 0 : i32
    return %c0_i32, %c0_i32_0 : i32, i32
  }
  func.func @transform_8(%arg0: i32) -> (i32, i32) {
    %c0_i32 = arith.constant 0 : i32
    %c0_i32_0 = arith.constant 0 : i32
    %c0_i32_1 = arith.constant 0 : i32
    return %c0_i32, %c0_i32_0 : i32, i32
  }
  func.func @transform_9(%arg0: i32) -> (i32, i32) {
    %c0_i32 = arith.constant 0 : i32
    %c0_i32_0 = arith.constant 0 : i32
    %c0_i32_1 = arith.constant 0 : i32
    return %c0_i32, %c0_i32_0 : i32, i32
  }
  func.func @transform_10(%arg0: i32) -> (i32, i32) {
    %c0_i32 = arith.constant 0 : i32
    %c0_i32_0 = arith.constant 0 : i32
    %c0_i32_1 = arith.constant 0 : i32
    return %c0_i32, %c0_i32_0 : i32, i32
  }
  func.func @transform_11(%arg0: i32) -> (i32, i32) {
    %c0_i32 = arith.constant 0 : i32
    %c0_i32_0 = arith.constant 0 : i32
    return %arg0, %c0_i32 : i32, i32
  }
}

</mosaic_0001>

<sc_bundles>
// kernel: kernel.10.cloned.1.call-start
scs
__scs_entry_jumppad:
0x0: {  	(pc) =	sbr.rel $0x88, $3  }
0x1: {  	(tag) =	ssettag $0x0;
	lr =	simm.s32 $0x1  }
0x2: {  	[smem:$0x3F95] =	sst lr;
	_ =	strace $0xD0000000  }
0x3: {  	_ = 	snop  }
0x4: {  	_ = 	snop  }
0x5: {  	_ = 	snop  }
0x6: {  	_ = 	snop  }
0x7: {  	_ = 	snop  }
__scs_overlays_trampoline_lowered:
0x8: {  	[smem:$0x3FA4] =	sst s0  }
0x9: {  	[smem:$0x3FA5] =	sst s1  }
0xa: {  	[smem:$0x3FA6] =	sst s2  }
0xb: {  	[smem:$0x3FA7] =	sst s3  }
0xc: {  	[smem:$0x3FA8] =	sst s4  }
0xd: {  	[smem:$0x3FA9] =	sst s5  }
0xe: {  	[smem:$0x3FAA] =	sst s6  }
0xf: {  	[smem:$0x3FAB] =	sst s7  }
0x10: {  	[smem:$0x3FAC] =	sst s8  }
0x11: {  	[smem:$0x3FAD] =	sst s9;
	s0 =	simm.s32 @!p0 $0x0  }
0x12: {  	s1 =	sld [smem:$0x3F93];
	s0 =	simm.s32 @p0 $0x1  }
0x13: {  	[smem:$0x3FAE] =	sst s0;
	s0 =	simm.s32 @!p1 $0x0  }
0x14: {  	s2 =	sld [smem:$0x3F92];
	s0 =	simm.s32 @p1 $0x1  }
0x15: {  	[smem:$0x3FAF] =	sst s0;
	s0 =	simm.s32 @!p2 $0x0  }
0x16: {  	s3 =	sld [smem:$0x3FDB];
	s0 =	simm.s32 @p2 $0x1  }
0x17: {  	s4 =	simm.s32 $0x1BF5;
	[smem:$0x3FB1] =	sst s0  }
0x18: {  	s0 =	sld [smem:$0x3F94];
	_ =	swait.ge [sflag:s4], $0x0  }
0x19: {  	s7 =	sld [smem:$0x3F95]  }
0x1a: {  	s8 =	sadd.s32 $0xFFFFE003, lr  }
0x1b: {  	s9 =	sadd.s32 $0xFFFFFEF7, lr;
	s5 =	simm.s32 $0xFFFFFFFF;
	p2 =	slt.u32 s8, $0xFFFFF086  }
0x1c: {  	p1 =	slt.u32 s9, $0xF7A;
	s5 =	simm.s32 @!p2 $0x0  }
0x1d: {  	s5 =	simm.s32 @p1 $0x1;
	p0 =	seq.s32 s7, s2  }
0x1e: {  	s7 =	smul.u32 @!p0 $0xF7A, s2;
	p2 =	seq.s32 @!p0 s5, $0x0  }
0x1f: {  	s9 =	smul.u32 $0xF7A, s1;
	s8 =	simm.s32 @!p0 $0x1BF5;
	p2 =	por !p2, p0  }
0x20: {  	[sflag:s8] =	ssyncset.s32 @!p0 $0xFFFFF086;
	s6 =	sadd.s32 @!p0 s3, s7;
	s7 =	simm.s32 @!p0 $0x108  }
0x21: {  	s3 =	sadd.s32 s3, s9;
	s6 =	sadd.s32 @!p0 $0x88, s6;
	s7 =	simm.s32 @p2 $0x1082  }
0x22: {  	[simem:s7], [sflag:s8] =	dma.local @!p0 [hbm:s6], $0xF7A  }
0x23: {  	s9 =	sor.u32 $0xD0000000, s2;
	s6 =	simm.s32 $0x108;
	_ =	swait.ge @!p0 [sflag:s8], $0x0  }
0x24: {  	s3 =	sadd.s32 $0x88, s3;
	s6 =	simm.s32 @!p1 $0x1082;
	[sflag:s4] =	ssyncset.s32 $0xFFFFF086  }
0x25: {  	[simem:s6], [sflag:s4] =	dma.local [hbm:s3], $0xF7A  }
0x26: {  	[smem:$0x3F95] =	sst s1;
	(tag) =	ssettag s2;
	_ =	strace s9  }
0x27: {  	s1 =	sld [smem:$0x3FA5]  }
0x28: {  	s2 =	sld [smem:$0x3FA6]  }
0x29: {  	s4 =	sld [smem:$0x3FA8]  }
0x2a: {  	p0 =	seq.s32 s5, $0x0;
	s5 =	sld [smem:$0x3FA9]  }
0x2b: {  	s6 =	sld [smem:$0x3FAA]  }
0x2c: {  	s7 =	sld [smem:$0x3FAB]  }
0x2d: {  	s3 =	simm.s32 $0x108;
	s8 =	sld [smem:$0x3FAC]  }
0x2e: {  	s3 =	simm.s32 @!p0 $0x1082;
	s9 =	sld [smem:$0x3FAD]  }
0x2f: {  	lr =	sadd.s32 s0, s3;
	s0 =	sld [smem:$0x3FA4]  }
0x30: {  	s3 =	sld [smem:$0x3FA7]  }
0x31: {  	[smem:$0x3FB0] =	sst s10  }
0x32: {  	s10 =	sld [smem:$0x3FAE];
	_ =	sdelay $0x3  }
0x33: {  	p0 =	seq.s32 s10, $0x1;
	s10 =	sld [smem:$0x3FB0];
	_ =	sdelay $0x3  }
0x34: {  	[smem:$0x3FB0] =	sst s10  }
0x35: {  	s10 =	sld [smem:$0x3FAF];
	_ =	sdelay $0x3  }
0x36: {  	p1 =	seq.s32 s10, $0x1;
	s10 =	sld [smem:$0x3FB0];
	_ =	sdelay $0x3  }
0x37: {  	[smem:$0x3FB0] =	sst s10  }
0x38: {  	s10 =	sld [smem:$0x3FB1]  }
0x39: {  	_ = 	snop;
	(pc) =	sbr.ind lr, $3  }
0x3a: {  	_ = 	snop  }
0x3b: {  	_ = 	snop  }
0x3c: {  	p2 =	seq.s32 s10, $0x1;
	s10 =	sld [smem:$0x3FB0]  }
0x3d: {  	_ =	shalt  }
0x3e: {  	_ =	shalt  }
0x3f: {  	_ =	shalt  }
0x40: {  	_ =	shalt  }
0x41: {  	_ =	shalt  }
0x42: {  	_ =	shalt  }
0x43: {  	_ =	shalt  }
0x44: {  	_ =	shalt  }
0x45: {  	_ =	shalt  }
0x46: {  	_ =	shalt  }
0x47: {  	_ =	shalt  }
0x48: {  	_ =	shalt  }
0x49: {  	_ =	shalt  }
0x4a: {  	_ =	shalt  }
0x4b: {  	_ =	shalt  }
0x4c: {  	_ =	shalt  }
0x4d: {  	_ =	shalt  }
0x4e: {  	_ =	shalt  }
0x4f: {  	_ =	shalt  }
0x50: {  	_ =	shalt  }
0x51: {  	_ =	shalt  }
0x52: {  	_ =	shalt  }
0x53: {  	_ =	shalt  }
0x54: {  	_ =	shalt  }
0x55: {  	_ =	shalt  }
0x56: {  	_ =	shalt  }
0x57: {  	_ =	shalt  }
0x58: {  	_ =	shalt  }
0x59: {  	_ =	shalt  }
0x5a: {  	_ =	shalt  }
0x5b: {  	_ =	shalt  }
0x5c: {  	_ =	shalt  }
0x5d: {  	_ =	shalt  }
0x5e: {  	_ =	shalt  }
0x5f: {  	_ =	shalt  }
0x60: {  	_ =	shalt  }
0x61: {  	_ =	shalt  }
0x62: {  	_ =	shalt  }
0x63: {  	_ =	shalt  }
0x64: {  	_ =	shalt  }
0x65: {  	_ =	shalt  }
0x66: {  	_ =	shalt  }
0x67: {  	_ =	shalt  }
0x68: {  	_ =	shalt  }
0x69: {  	_ =	shalt  }
0x6a: {  	_ =	shalt  }
0x6b: {  	_ =	shalt  }
0x6c: {  	_ =	shalt  }
0x6d: {  	_ =	shalt  }
0x6e: {  	_ =	shalt  }
0x6f: {  	_ =	shalt  }
0x70: {  	_ =	shalt  }
0x71: {  	_ =	shalt  }
0x72: {  	_ =	shalt  }
0x73: {  	_ =	shalt  }
0x74: {  	_ =	shalt  }
0x75: {  	_ =	shalt  }
0x76: {  	_ =	shalt  }
0x77: {  	_ =	shalt  }
0x78: {  	_ =	shalt  }
0x79: {  	_ =	shalt  }
0x7a: {  	_ =	shalt  }
0x7b: {  	_ =	shalt  }
0x7c: {  	_ =	shalt  }
0x7d: {  	_ =	shalt  }
0x7e: {  	_ =	shalt  }
0x7f: {  	_ =	shalt  }
0x80: {  	_ =	shalt  }
0x81: {  	_ =	shalt  }
0x82: {  	_ =	shalt  }
0x83: {  	_ =	shalt  }
0x84: {  	_ =	shalt  }
0x85: {  	_ =	shalt  }
0x86: {  	_ =	shalt  }
0x87: {  	_ =	shalt  }
.Lfunc_end0:
.L_simem_size_0:
called_computation.1_lowered:
.L_overlay_start_0:
0x88: {  	s2 =	sld [smem:$0x3FD9]  }
0x89: {  	s3 =	sld [smem:$0x3FFE];
	_ =	sdelay $0x1  }
0x8a: {  	s1 =	srdreg.scid  }
0x8b: {  	s0 =	sand.u32 $0x1, s1  }
0x8c: {  	s16 =	sshll.u32 s0, $0xA;
	s2 =	sadd.s32 s3, s2  }
0x8d: {  	s2 =	sadd.s32 s2, s16  }
0x8e: {  	[smem:$0x3FBC] =	sst s2  }
0x8f: {  	_ = 	snop  }
0x90: {  	(tm) =	ssettm $0x1  }
0x91: {  	s17 =	sld [smem:$0x3FFB];
	_ =	sdelay $0x3  }
0x92: {  	_ =	strace s17  }
0x93: {  	s2 =	sld [smem:$0x3FFC];
	_ =	sdelay $0x3  }
0x94: {  	_ =	strace s2  }
0x95: {  	s2 =	sld [smem:$0x3FFD];
	_ =	sdelay $0x3  }
0x96: {  	_ =	strace s2  }
0x97: {  	_ =	strace $0x8FFFFFFF  }
0x98: {  	s18 =	sld [smem:$0x3FDB];
	_ =	sdelay $0x1  }
0x99: {  	s19 =	simm.s32 $_scs_section_size  }
0x9a: {  	s4 =	simm.s32 $_size__tile_overlayer_lowered;
	s5 =	simm.s32 $_tile_overlayer_lowered  }
0x9b: {  	s22 =	simm.s32 $0x1BFF;
	s21 =	sshll.u32 s5, $0x1;
	s2 =	sadd.s32 s19, s18  }
0x9c: {  	s6 =	simm.s32 $0x0;
	s20 =	sshll.u32 s4, $0x1;
	s4 =	sadd.s32 s21, s2  }
0x9d: {  	[timem:s6], [sflag:s22] =	dma.local [hbm:s4], s20  }
0x9e: {  	_ =	swait.ge [sflag:s22], s20  }
0x9f: {  	s3 =	ssub.s32 $0x0, s20;
	[sflag:s22] =	ssyncset.done $0x0  }
0xa0: {  	[sflag:s22] =	ssyncadd.s32 s3;
	_ =	sdelay $0x1  }
0xa1: {  	s23 =	simm.s32 $0x1B8B  }
0xa2: {  	_ =	swait.ge [sflag:s23], $0x1  }
0xa3: {  	[sflag:s23] =	ssyncset.done $0x0  }
0xa4: {  	s25 =	simm.s32 $0x1B8E;
	s24 =	sld [smem:$0x3FFE];
	[sflag:s23] =	ssyncadd.s32 $0xFFFFFFFF  }
0xa5: {  	s26 =	simm.s32 $execute0_lowered;
	[smem:$0x3FD2] =	sst s25  }
0xa6: {  	s4 =	sshll.u32 s26, $0x1;
	_ =	strace $0x80000046;
	[dreg:$0x1] =	wrdreg $0xFFFFFFFF  }
0xa7: {  	s28 =	simm.s32 $_size_execute0_lowered;
	s2 =	sadd.s32 s2, s4;
	[dreg:$0x0] =	wrdreg $0x0  }
0xa8: {  	s4 =	sshll.u32 s28, $0x1;
	[dreg:$0x2] =	wrdreg s2  }
0xa9: {  	[dreg:$0x3] =	wrdreg s4  }
0xaa: {  	[dreg:$0x4] =	wrdreg $0xC0  }
0xab: {  	_ =	task [dreg:s6], $0x5FFFF  }
0xac: {  	[dreg:$0x1] =	wrdreg $0xFFFFFFFF  }
0xad: {  	[dreg:$0x0] =	wrdreg $0x60  }
0xae: {  	[dreg:$0x2] =	wrdreg s24  }
0xaf: {  	[dreg:$0x3] =	wrdreg $0xA  }
0xb0: {  	_ =	task.clear_ibuf [dreg:s6], $0x4FFFF;
	_ =	strace $0x90000046  }
0xb1: {  	s29 =	simm.s32 $0xA;
	_ =	strace $0x80000048  }
0xb2: {  	_ =	swait.ge [sflag:s29], $0x1  }
0xb3: {  	[sflag:s29] =	ssyncadd.s32 $0xFFFFFFFF  }
0xb4: {  	_ =	strace $0x90000048  }
0xb5: {  	_ =	sfence  }
0xb6: {  	s30 =	sld [smem:$0x0];
	_ =	sdelay $0x2  }
0xb7: {  	s31 =	sshll.u32 s1, $0xD;
	s1 =	sshrl.u32 s1, $0x2  }
0xb8: {  	s3 =	sand.u32 $0x4000, s31;
	s1 =	sadd.s32 s1, s30  }
0xb9: {  	s0 =	sor.u32 s3, s0;
	s1 =	sshll.u32 s1, $0x11  }
0xba: {  	s0 =	sor.u32 s1, s0  }
0xbb: {  	s0 =	sadd.s32 $0x8F2B, s0  }
0xbc: {  	[sflag:s0] =	ssyncadd.remote.s32 $0x1  }
0xbd: {  	_ =	sfence.sel $0xFFFF  }
0xbe: {  	[dreg:$0x0] =	wrdreg $0xFFFFFFFF;
	(pc) =	sbr.abs _section_cstart, $3  }
0xbf: {  	[dreg:$0x1] =	wrdreg $0xFFFFFFFF  }
0xc0: {  	_ =	task.clear_ibuf [dreg:s6], $0x2FFFF;
	_ =	strace $0x9FFFFFFF  }
0xc1: {  	(tm) =	ssettm $0x7FFFFFFF  }
tec
execute0_lowered:
.L_overlay_start_1:
0x0: {  	(tag) =	ssettag $0x1  }
0x1: {  	s1 =	srdreg.scid;
	s0 =	stileid.u32  }
0x2: {  	s14 =	sand.u32 $0x1, s1;
	s29 =	sshll.u32 s0, $0x1  }
0x3: {  	s15 =	rddreg [dreg:$0x0];
	s16 =	sor.u32 s14, s29  }
0x4: {  	s2 =	simm.s32 $0x0;
	s1 =	rddreg [dreg:$0x1];
	s3 =	sshll.u32 s16, $0x6  }
0x5: {  	[smem:$0x7FF] =	sst s2;
	s3 =	sadd.s32 s3, s15  }
0x6: {  	_ =	strace $0x80000047;
	s4 =	sadd.s32 $0x3D6000, s3;
	s3 =	simm.s32 $0x2  }
0x7: {  	[tilespmem:s2], [sflag:$0x2] =	stream.linear.gather [hbm4b:s4+s2], $0x200, $0x38;
	[tilespmem:$0x10200] =	vst v63  }
0x8: {  	_ =	swait.ge [sflag:s3], $0x200  }
0x9: {  	s6 =	simm.s32 $0x80;
	[sflag:s3] =	ssyncset.done $0x0  }
0xa: {  	s7 =	simm.s32 $0x200;
	s5 =	sadd.s32 $0x2000, s15;
	[sflag:s3] =	ssyncadd.s32 $0xFFFFFE00  }
0xb: {  	[tilespmem:s7], [sflag:$0x1] =	stream.indirect.gather [hbm4b:s5+s6], $0x80, s2, s6, $0xb8;
	[tilespmem:$0x10200] =	vst v63  }
0xc: {  	s8 =	simm.s32 $0x4200  }
0xd: {  	[tilespmem:s8], [sflag:$0x1] =	stream.indirect.gather [hbm4b:s5+s6], $0x80, s6, s6, $0xb8;
	[tilespmem:$0x10200] =	vst v63  }
0xe: {  	s9 =	simm.s32 $0x100;
	s10 =	simm.s32 $0x8200  }
0xf: {  	[tilespmem:s10], [sflag:$0x1] =	stream.indirect.gather [hbm4b:s5+s6], $0x80, s9, s6, $0xb8;
	[tilespmem:$0x10200] =	vst v63  }
0x10: {  	s11 =	simm.s32 $0x180;
	s12 =	simm.s32 $0xC200;
	s13 =	simm.s32 $0x1  }
0x11: {  	[tilespmem:s12], [sflag:$0x1] =	stream.indirect.gather [hbm4b:s5+s6], $0x80, s11, s6, $0xb8;
	[tilespmem:$0x10200] =	vst v63  }
0x12: {  	_ =	swait.ge [sflag:s13], $0x4000  }
0x13: {  	[sflag:s13] =	ssyncset.done $0x0  }
0x14: {  	[sflag:s13] =	ssyncadd.s32 $0xFFFFC000  }
0x15: {  	_ =	swait.ge [sflag:s13], $0x4000  }
0x16: {  	[sflag:s13] =	ssyncset.done $0x0  }
0x17: {  	s14 =	ssub.s32 $0x2, s14;
	[sflag:s13] =	ssyncadd.s32 $0xFFFFC000  }
0x18: {  	s17 =	sshrl.u32 s14, $0x1;
	_ =	swait.ge [sflag:s13], $0x4000  }
0x19: {  	s30 =	ssub.s32 s14, s17;
	[sflag:s13] =	ssyncset.done $0x0  }
0x1a: {  	s31 =	smax.u32 s30, $0x1;
	[sflag:s13] =	ssyncadd.s32 $0xFFFFC000  }
0x1b: {  	s16 =	sshll.u32 s16, $0xD;
	p0 =	sne.s32 s31, $0x1;
	_ =	swait.ge [sflag:s13], $0x4000  }
.Ltmp0:
0x1c: {  	s15 =	sadd.s32 s16, s15;
	[sflag:s13] =	ssyncset.done $0x0;
	(pc) =	sbr.rel @!p0 .LBB2_2-.Ltmp0, $4  }
0x1d: {  	s14 =	sadd.s32 $0x3D6800, s15;
	[sflag:s13] =	ssyncadd.s32 $0xFFFFC000  }
0x1e: {  	[hbm4b:s14+s2] =	stream.linear.scatter [tilespmem:s7], [sflag:$0x2], $0x10000, $0x38;
	[tilespmem:$0x10200] =	vst v63  }
0x1f: {  	_ =	swait.ge [sflag:s3], $0x10000  }
0x20: {  	s15 =	sadd.s32 $0xFFFFFFFF, s31;
	[sflag:s3] =	ssyncset.done $0x0  }
.LBB2_1:
0x21: {  	p0 =	sne.s32 s15, $0x1;
	s15 =	sadd.s32 $0xFFFFFFFF, s15;
	[sflag:s3] =	ssyncadd.s32 $0xFFFF0000  }
0x22: {  	[tilespmem:s2], [sflag:$0x2] =	stream.linear.gather [hbm4b:s4+s2], $0x200, $0x38;
	[tilespmem:$0x10200] =	vst v63  }
0x23: {  	_ =	swait.ge [sflag:s3], $0x200  }
0x24: {  	[sflag:s3] =	ssyncset.done $0x0  }
0x25: {  	[sflag:s3] =	ssyncadd.s32 $0xFFFFFE00  }
0x26: {  	[tilespmem:s7], [sflag:$0x1] =	stream.indirect.gather [hbm4b:s5+s6], $0x80, s2, s6, $0xb8;
	[tilespmem:$0x10200] =	vst v63  }
0x27: {  	_ = 	snop  }
0x28: {  	[tilespmem:s8], [sflag:$0x1] =	stream.indirect.gather [hbm4b:s5+s6], $0x80, s6, s6, $0xb8;
	[tilespmem:$0x10200] =	vst v63  }
0x29: {  	_ = 	snop  }
0x2a: {  	[tilespmem:s10], [sflag:$0x1] =	stream.indirect.gather [hbm4b:s5+s6], $0x80, s9, s6, $0xb8;
	[tilespmem:$0x10200] =	vst v63  }
0x2b: {  	_ = 	snop  }
0x2c: {  	[tilespmem:s12], [sflag:$0x1] =	stream.indirect.gather [hbm4b:s5+s6], $0x80, s11, s6, $0xb8;
	[tilespmem:$0x10200] =	vst v63  }
0x2d: {  	_ =	swait.ge [sflag:s13], $0x4000  }
0x2e: {  	[sflag:s13] =	ssyncset.done $0x0  }
0x2f: {  	[sflag:s13] =	ssyncadd.s32 $0xFFFFC000  }
0x30: {  	_ =	swait.ge [sflag:s13], $0x4000  }
0x31: {  	[sflag:s13] =	ssyncset.done $0x0  }
0x32: {  	[sflag:s13] =	ssyncadd.s32 $0xFFFFC000  }
0x33: {  	_ =	swait.ge [sflag:s13], $0x4000  }
0x34: {  	[sflag:s13] =	ssyncset.done $0x0  }
0x35: {  	[sflag:s13] =	ssyncadd.s32 $0xFFFFC000  }
0x36: {  	_ =	swait.ge [sflag:s13], $0x4000  }
.Ltmp1:
0x37: {  	[sflag:s13] =	ssyncset.done $0x0;
	(pc) =	sbr.rel @p0 .LBB2_1-.Ltmp1, $4  }
0x38: {  	[sflag:s13] =	ssyncadd.s32 $0xFFFFC000  }
0x39: {  	[hbm4b:s14+s2] =	stream.linear.scatter [tilespmem:s7], [sflag:$0x2], $0x10000, $0x38;
	[tilespmem:$0x10200] =	vst v63  }
0x3a: {  	_ =	swait.ge [sflag:s3], $0x10000  }
0x3b: {  	[sflag:s3] =	ssyncset.done $0x0  }
.LBB2_2:
0x3c: {  	[sflag:s3] =	ssyncadd.s32 $0xFFFF0000  }
0x3d: {  	_ =	sfence.sel $0x180000  }
0x3e: {  	[bflag:$0x0] =	sbarrier.arrive $0xFFFF  }
0x3f: {  	p0 =	sne.s32 s0, $0x0;
	_ =	strace $0x90000047  }
0x40: {  	s0 =	sadd.s32 @!p0 $0x100000, s1;
	[bflag:$0x2] =	sbarrier.arrive $0xFFFF  }
0x41: {  	[sflag:s0] =	ssyncadd.tile.s32 @!p0 $0x1;
	_ =	shalt  }
.Lfunc_end2:
_tile_overlayer_lowered:
.L_overlay_start_2:
0x42: {  	(tag) =	ssettag $0x2  }
0x43: {  	s0 =	rddreg [dreg:$0x0];
	s2 =	stileid.u32  }
0x44: {  	s1 =	rddreg [dreg:$0x1];
	p0 =	sne.s32 s2, $0x0  }
0x45: {  	s3 =	rddreg [dreg:$0x2];
	[bflag:$0x3] =	sbarrier.arrive $0xFFFF;
	s2 =	simm.s32 @!p0 $0x1C02  }
0x46: {  	[timem:s3], [sflag:s2] =	dma.local @!p0 [hbm:s0], s1  }
0x47: {  	s0 =	simm.s32 @!p0 $0x2  }
0x48: {  	_ =	swait.ge @!p0 [sflag:s0], s1  }
0x49: {  	s1 =	ssub.s32 @!p0 $0x0, s1;
	[sflag:s0] =	ssyncset.done @!p0 $0x0  }
0x4a: {  	[sflag:s0] =	ssyncadd.s32 @!p0 s1  }
0x4b: {  	[bflag:$0x3] =	sbarrier.arrive $0xFFFF  }
0x4c: {  	_ =	shalt  }

// kernel: kernel.7.cloned.1.call-start
scs
__scs_entry_jumppad:
0x0: {  	(pc) =	sbr.rel $0x88, $3  }
0x1: {  	(tag) =	ssettag $0x0;
	lr =	simm.s32 $0x1  }
0x2: {  	[smem:$0x3F95] =	sst lr;
	_ =	strace $0xD0000000  }
0x3: {  	_ = 	snop  }
0x4: {  	_ = 	snop  }
0x5: {  	_ = 	snop  }
0x6: {  	_ = 	snop  }
0x7: {  	_ = 	snop  }
__scs_overlays_trampoline_lowered:
0x8: {  	[smem:$0x3FA4] =	sst s0  }
0x9: {  	[smem:$0x3FA5] =	sst s1  }
0xa: {  	[smem:$0x3FA6] =	sst s2  }
0xb: {  	[smem:$0x3FA7] =	sst s3  }
0xc: {  	[smem:$0x3FA8] =	sst s4  }
0xd: {  	[smem:$0x3FA9] =	sst s5  }
0xe: {  	[smem:$0x3FAA] =	sst s6  }
0xf: {  	[smem:$0x3FAB] =	sst s7  }
0x10: {  	[smem:$0x3FAC] =	sst s8  }
0x11: {  	[smem:$0x3FAD] =	sst s9;
	s0 =	simm.s32 @!p0 $0x0  }
0x12: {  	s1 =	sld [smem:$0x3F93];
	s0 =	simm.s32 @p0 $0x1  }
0x13: {  	[smem:$0x3FAE] =	sst s0;
	s0 =	simm.s32 @!p1 $0x0  }
0x14: {  	s2 =	sld [smem:$0x3F92];
	s0 =	simm.s32 @p1 $0x1  }
0x15: {  	[smem:$0x3FAF] =	sst s0;
	s0 =	simm.s32 @!p2 $0x0  }
0x16: {  	s3 =	sld [smem:$0x3FDB];
	s0 =	simm.s32 @p2 $0x1  }
0x17: {  	s4 =	simm.s32 $0x1BF5;
	[smem:$0x3FB1] =	sst s0  }
0x18: {  	s0 =	sld [smem:$0x3F94];
	_ =	swait.ge [sflag:s4], $0x0  }
0x19: {  	s7 =	sld [smem:$0x3F95]  }
0x1a: {  	s8 =	sadd.s32 $0xFFFFE003, lr  }
0x1b: {  	s9 =	sadd.s32 $0xFFFFFEF7, lr;
	s5 =	simm.s32 $0xFFFFFFFF;
	p2 =	slt.u32 s8, $0xFFFFF086  }
0x1c: {  	p1 =	slt.u32 s9, $0xF7A;
	s5 =	simm.s32 @!p2 $0x0  }
0x1d: {  	s5 =	simm.s32 @p1 $0x1;
	p0 =	seq.s32 s7, s2  }
0x1e: {  	s7 =	smul.u32 @!p0 $0xF7A, s2;
	p2 =	seq.s32 @!p0 s5, $0x0  }
0x1f: {  	s9 =	smul.u32 $0xF7A, s1;
	s8 =	simm.s32 @!p0 $0x1BF5;
	p2 =	por !p2, p0  }
0x20: {  	[sflag:s8] =	ssyncset.s32 @!p0 $0xFFFFF086;
	s6 =	sadd.s32 @!p0 s3, s7;
	s7 =	simm.s32 @!p0 $0x108  }
0x21: {  	s3 =	sadd.s32 s3, s9;
	s6 =	sadd.s32 @!p0 $0x88, s6;
	s7 =	simm.s32 @p2 $0x1082  }
0x22: {  	[simem:s7], [sflag:s8] =	dma.local @!p0 [hbm:s6], $0xF7A  }
0x23: {  	s9 =	sor.u32 $0xD0000000, s2;
	s6 =	simm.s32 $0x108;
	_ =	swait.ge @!p0 [sflag:s8], $0x0  }
0x24: {  	s3 =	sadd.s32 $0x88, s3;
	s6 =	simm.s32 @!p1 $0x1082;
	[sflag:s4] =	ssyncset.s32 $0xFFFFF086  }
0x25: {  	[simem:s6], [sflag:s4] =	dma.local [hbm:s3], $0xF7A  }
0x26: {  	[smem:$0x3F95] =	sst s1;
	(tag) =	ssettag s2;
	_ =	strace s9  }
0x27: {  	s1 =	sld [smem:$0x3FA5]  }
0x28: {  	s2 =	sld [smem:$0x3FA6]  }
0x29: {  	s4 =	sld [smem:$0x3FA8]  }
0x2a: {  	p0 =	seq.s32 s5, $0x0;
	s5 =	sld [smem:$0x3FA9]  }
0x2b: {  	s6 =	sld [smem:$0x3FAA]  }
0x2c: {  	s7 =	sld [smem:$0x3FAB]  }
0x2d: {  	s3 =	simm.s32 $0x108;
	s8 =	sld [smem:$0x3FAC]  }
0x2e: {  	s3 =	simm.s32 @!p0 $0x1082;
	s9 =	sld [smem:$0x3FAD]  }
0x2f: {  	lr =	sadd.s32 s0, s3;
	s0 =	sld [smem:$0x3FA4]  }
0x30: {  	s3 =	sld [smem:$0x3FA7]  }
0x31: {  	[smem:$0x3FB0] =	sst s10  }
0x32: {  	s10 =	sld [smem:$0x3FAE];
	_ =	sdelay $0x3  }
0x33: {  	p0 =	seq.s32 s10, $0x1;
	s10 =	sld [smem:$0x3FB0];
	_ =	sdelay $0x3  }
0x34: {  	[smem:$0x3FB0] =	sst s10  }
0x35: {  	s10 =	sld [smem:$0x3FAF];
	_ =	sdelay $0x3  }
0x36: {  	p1 =	seq.s32 s10, $0x1;
	s10 =	sld [smem:$0x3FB0];
	_ =	sdelay $0x3  }
0x37: {  	[smem:$0x3FB0] =	sst s10  }
0x38: {  	s10 =	sld [smem:$0x3FB1]  }
0x39: {  	_ = 	snop;
	(pc) =	sbr.ind lr, $3  }
0x3a: {  	_ = 	snop  }
0x3b: {  	_ = 	snop  }
0x3c: {  	p2 =	seq.s32 s10, $0x1;
	s10 =	sld [smem:$0x3FB0]  }
0x3d: {  	_ =	shalt  }
0x3e: {  	_ =	shalt  }
0x3f: {  	_ =	shalt  }
0x40: {  	_ =	shalt  }
0x41: {  	_ =	shalt  }
0x42: {  	_ =	shalt  }
0x43: {  	_ =	shalt  }
0x44: {  	_ =	shalt  }
0x45: {  	_ =	shalt  }
0x46: {  	_ =	shalt  }
0x47: {  	_ =	shalt  }
0x48: {  	_ =	shalt  }
0x49: {  	_ =	shalt  }
0x4a: {  	_ =	shalt  }
0x4b: {  	_ =	shalt  }
0x4c: {  	_ =	shalt  }
0x4d: {  	_ =	shalt  }
0x4e: {  	_ =	shalt  }
0x4f: {  	_ =	shalt  }
0x50: {  	_ =	shalt  }
0x51: {  	_ =	shalt  }
0x52: {  	_ =	shalt  }
0x53: {  	_ =	shalt  }
0x54: {  	_ =	shalt  }
0x55: {  	_ =	shalt  }
0x56: {  	_ =	shalt  }
0x57: {  	_ =	shalt  }
0x58: {  	_ =	shalt  }
0x59: {  	_ =	shalt  }
0x5a: {  	_ =	shalt  }
0x5b: {  	_ =	shalt  }
0x5c: {  	_ =	shalt  }
0x5d: {  	_ =	shalt  }
0x5e: {  	_ =	shalt  }
0x5f: {  	_ =	shalt  }
0x60: {  	_ =	shalt  }
0x61: {  	_ =	shalt  }
0x62: {  	_ =	shalt  }
0x63: {  	_ =	shalt  }
0x64: {  	_ =	shalt  }
0x65: {  	_ =	shalt  }
0x66: {  	_ =	shalt  }
0x67: {  	_ =	shalt  }
0x68: {  	_ =	shalt  }
0x69: {  	_ =	shalt  }
0x6a: {  	_ =	shalt  }
0x6b: {  	_ =	shalt  }
0x6c: {  	_ =	shalt  }
0x6d: {  	_ =	shalt  }
0x6e: {  	_ =	shalt  }
0x6f: {  	_ =	shalt  }
0x70: {  	_ =	shalt  }
0x71: {  	_ =	shalt  }
0x72: {  	_ =	shalt  }
0x73: {  	_ =	shalt  }
0x74: {  	_ =	shalt  }
0x75: {  	_ =	shalt  }
0x76: {  	_ =	shalt  }
0x77: {  	_ =	shalt  }
0x78: {  	_ =	shalt  }
0x79: {  	_ =	shalt  }
0x7a: {  	_ =	shalt  }
0x7b: {  	_ =	shalt  }
0x7c: {  	_ =	shalt  }
0x7d: {  	_ =	shalt  }
0x7e: {  	_ =	shalt  }
0x7f: {  	_ =	shalt  }
0x80: {  	_ =	shalt  }
0x81: {  	_ =	shalt  }
0x82: {  	_ =	shalt  }
0x83: {  	_ =	shalt  }
0x84: {  	_ =	shalt  }
0x85: {  	_ =	shalt  }
0x86: {  	_ =	shalt  }
0x87: {  	_ =	shalt  }
.Lfunc_end0:
.L_simem_size_0:
called_computation_lowered:
.L_overlay_start_0:
0x88: {  	s2 =	sld [smem:$0x3FD9]  }
0x89: {  	s3 =	sld [smem:$0x3FFE];
	_ =	sdelay $0x1  }
0x8a: {  	s1 =	srdreg.scid  }
0x8b: {  	s0 =	sand.u32 $0x1, s1  }
0x8c: {  	s17 =	sshll.u32 s0, $0xA;
	s2 =	sadd.s32 s3, s2  }
0x8d: {  	s2 =	sadd.s32 s2, s17  }
0x8e: {  	[smem:$0x3FBC] =	sst s2  }
0x8f: {  	_ = 	snop  }
0x90: {  	(tm) =	ssettm $0x1  }
0x91: {  	s18 =	sld [smem:$0x3FFB];
	_ =	sdelay $0x3  }
0x92: {  	_ =	strace s18  }
0x93: {  	s2 =	sld [smem:$0x3FFC];
	_ =	sdelay $0x3  }
0x94: {  	_ =	strace s2  }
0x95: {  	s2 =	sld [smem:$0x3FFD];
	_ =	sdelay $0x3  }
0x96: {  	_ =	strace s2  }
0x97: {  	_ =	strace $0x8FFFFFFF  }
0x98: {  	s19 =	sld [smem:$0x3FDB];
	_ =	sdelay $0x1  }
0x99: {  	s20 =	simm.s32 $_scs_section_size  }
0x9a: {  	s4 =	simm.s32 $_size__tile_overlayer_lowered;
	s5 =	simm.s32 $_tile_overlayer_lowered  }
0x9b: {  	s6 =	simm.s32 $0x1BFF;
	s21 =	sshll.u32 s5, $0x1;
	s3 =	sadd.s32 s20, s19  }
0x9c: {  	s22 =	simm.s32 $0x0;
	s4 =	sshll.u32 s4, $0x1;
	s5 =	sadd.s32 s21, s3  }
0x9d: {  	[timem:s22], [sflag:s6] =	dma.local [hbm:s5], s4  }
0x9e: {  	_ =	swait.ge [sflag:s6], s4  }
0x9f: {  	s4 =	ssub.s32 $0x0, s4;
	[sflag:s6] =	ssyncset.done $0x0  }
0xa0: {  	[sflag:s6] =	ssyncadd.s32 s4;
	_ =	sdelay $0x1  }
0xa1: {  	s23 =	simm.s32 $0x1B8B  }
0xa2: {  	_ =	swait.ge [sflag:s23], $0x1  }
0xa3: {  	[sflag:s23] =	ssyncset.done $0x0  }
0xa4: {  	[sflag:s23] =	ssyncadd.s32 $0xFFFFFFFF  }
0xa5: {  	s4 =	sld [smem:$0x0]  }
0xa6: {  	s5 =	sand.u32 $0xFFFFFFFE, s1  }
0xa7: {  	p0 =	sne.s32 s1, s5  }
0xa8: {  	s5 =	sshll.u32 @p0 s5, $0xE  }
0xa9: {  	s5 =	sadd.s32 @p0 $0x11B8D, s5;
	s6 =	sshll.u32 @p0 s4, $0x11  }
0xaa: {  	s5 =	sor.u32 @p0 s6, s5  }
0xab: {  	[sflag:s5] =	ssyncadd.remote.s32 @p0 $0x1;
	_ =	sdelay $0x1  }
0xac: {  	s5 =	simm.s32 @p0 $0x1B8D  }
0xad: {  	_ =	swait.eq @p0 [sflag:s5], $0x1  }
0xae: {  	[sflag:s5] =	ssyncadd.s32 @p0 $0xFFFFFFFF  }
0xaf: {  	s6 =	sshll.u32 @!p0 s1, $0xE  }
0xb0: {  	s6 =	sor.u32 @!p0 $0x4000, s6;
	s5 =	simm.s32 @!p0 $0x1B8D  }
0xb1: {  	s4 =	sshll.u32 @!p0 s4, $0x11;
	s6 =	sadd.s32 @!p0 $0x11B8D, s6;
	_ =	swait.eq @!p0 [sflag:s5], $0x1  }
0xb2: {  	s4 =	sor.u32 @!p0 s4, s6;
	[sflag:s5] =	ssyncadd.s32 @!p0 $0xFFFFFFFF  }
0xb3: {  	s25 =	simm.s32 $0x1B8E;
	s24 =	sld [smem:$0x3FFE];
	[sflag:s4] =	ssyncadd.remote.s32 @!p0 $0x1  }
0xb4: {  	s26 =	simm.s32 $execute0_lowered;
	[smem:$0x3FD2] =	sst s25  }
0xb5: {  	s5 =	sshll.u32 s26, $0x1;
	_ =	strace $0x80000049;
	[dreg:$0x1] =	wrdreg $0xFFFFFFFF  }
0xb6: {  	s28 =	simm.s32 $_size_execute0_lowered;
	s3 =	sadd.s32 s3, s5;
	[dreg:$0x0] =	wrdreg $0x0  }
0xb7: {  	s5 =	sshll.u32 s28, $0x1;
	[dreg:$0x2] =	wrdreg s3  }
0xb8: {  	[dreg:$0x3] =	wrdreg s5  }
0xb9: {  	[dreg:$0x4] =	wrdreg $0xC0  }
0xba: {  	_ =	task [dreg:s22], $0x5FFFF  }
0xbb: {  	[dreg:$0x1] =	wrdreg $0xFFFFFFFF  }
0xbc: {  	[dreg:$0x0] =	wrdreg $0x60  }
0xbd: {  	[dreg:$0x2] =	wrdreg s24  }
0xbe: {  	[dreg:$0x3] =	wrdreg $0x9  }
0xbf: {  	_ =	task.clear_ibuf [dreg:s22], $0x4FFFF;
	_ =	strace $0x90000049  }
0xc0: {  	s29 =	simm.s32 $0x9;
	_ =	strace $0x8000004B  }
0xc1: {  	_ =	swait.ge [sflag:s29], $0x1  }
0xc2: {  	[sflag:s29] =	ssyncadd.s32 $0xFFFFFFFF  }
0xc3: {  	_ =	strace $0x9000004B  }
0xc4: {  	_ =	sfence  }
0xc5: {  	s30 =	sld [smem:$0x0];
	_ =	sdelay $0x2  }
0xc6: {  	s31 =	sshll.u32 s1, $0xD;
	s1 =	sshrl.u32 s1, $0x2  }
0xc7: {  	s4 =	sand.u32 $0x4000, s31;
	s1 =	sadd.s32 s1, s30  }
0xc8: {  	s0 =	sor.u32 s4, s0;
	s1 =	sshll.u32 s1, $0x11  }
0xc9: {  	s0 =	sor.u32 s1, s0  }
0xca: {  	s0 =	sadd.s32 $0x8F2B, s0  }
0xcb: {  	[sflag:s0] =	ssyncadd.remote.s32 $0x1  }
0xcc: {  	_ =	sfence.sel $0xFFFF  }
0xcd: {  	[dreg:$0x0] =	wrdreg $0xFFFFFFFF;
	(pc) =	sbr.abs _section_cstart, $3  }
0xce: {  	[dreg:$0x1] =	wrdreg $0xFFFFFFFF  }
0xcf: {  	_ =	task.clear_ibuf [dreg:s22], $0x2FFFF;
	_ =	strace $0x9FFFFFFF  }
0xd0: {  	(tm) =	ssettm $0x7FFFFFFF  }
0xd1: {  	_ =	shalt  }
tec
execute0_lowered:
.L_overlay_start_1:
0x0: {  	(tag) =	ssettag $0x1  }
0x1: {  	s1 =	srdreg.scid;
	s0 =	stileid.u32  }
0x2: {  	s14 =	sand.u32 $0x1, s1;
	s29 =	sshll.u32 s0, $0x1  }
0x3: {  	s15 =	rddreg [dreg:$0x0];
	s16 =	sor.u32 s14, s29  }
0x4: {  	s2 =	simm.s32 $0x0;
	s1 =	rddreg [dreg:$0x1];
	s3 =	sshll.u32 s16, $0x6  }
0x5: {  	[smem:$0x7FF] =	sst s2;
	s3 =	sadd.s32 s3, s15  }
0x6: {  	_ =	strace $0x8000004A;
	s4 =	sadd.s32 $0x478800, s3;
	s3 =	simm.s32 $0x2  }
0x7: {  	[tilespmem:s2], [sflag:$0x2] =	stream.linear.gather [hbm4b:s4+s2], $0x200, $0x38;
	[tilespmem:$0x10200] =	vst v63  }
0x8: {  	_ =	swait.ge [sflag:s3], $0x200  }
0x9: {  	s6 =	simm.s32 $0x80;
	[sflag:s3] =	ssyncset.done $0x0  }
0xa: {  	s7 =	simm.s32 $0x200;
	s5 =	sadd.s32 $0x416800, s15;
	[sflag:s3] =	ssyncadd.s32 $0xFFFFFE00  }
0xb: {  	[tilespmem:s7], [sflag:$0x1] =	stream.indirect.gather [hbm4b:s5+s6], $0x80, s2, s6, $0xb8;
	[tilespmem:$0x10200] =	vst v63  }
0xc: {  	s8 =	simm.s32 $0x4200  }
0xd: {  	[tilespmem:s8], [sflag:$0x1] =	stream.indirect.gather [hbm4b:s5+s6], $0x80, s6, s6, $0xb8;
	[tilespmem:$0x10200] =	vst v63  }
0xe: {  	s9 =	simm.s32 $0x100;
	s10 =	simm.s32 $0x8200  }
0xf: {  	[tilespmem:s10], [sflag:$0x1] =	stream.indirect.gather [hbm4b:s5+s6], $0x80, s9, s6, $0xb8;
	[tilespmem:$0x10200] =	vst v63  }
0x10: {  	s11 =	simm.s32 $0x180;
	s12 =	simm.s32 $0xC200;
	s13 =	simm.s32 $0x1  }
0x11: {  	[tilespmem:s12], [sflag:$0x1] =	stream.indirect.gather [hbm4b:s5+s6], $0x80, s11, s6, $0xb8;
	[tilespmem:$0x10200] =	vst v63  }
0x12: {  	_ =	swait.ge [sflag:s13], $0x4000  }
0x13: {  	[sflag:s13] =	ssyncset.done $0x0  }
0x14: {  	[sflag:s13] =	ssyncadd.s32 $0xFFFFC000  }
0x15: {  	_ =	swait.ge [sflag:s13], $0x4000  }
0x16: {  	[sflag:s13] =	ssyncset.done $0x0  }
0x17: {  	s14 =	ssub.s32 $0x2, s14;
	[sflag:s13] =	ssyncadd.s32 $0xFFFFC000  }
0x18: {  	s17 =	sshrl.u32 s14, $0x1;
	_ =	swait.ge [sflag:s13], $0x4000  }
0x19: {  	s30 =	ssub.s32 s14, s17;
	[sflag:s13] =	ssyncset.done $0x0  }
0x1a: {  	s31 =	smax.u32 s30, $0x1;
	[sflag:s13] =	ssyncadd.s32 $0xFFFFC000  }
0x1b: {  	s16 =	sshll.u32 s16, $0xD;
	p0 =	sne.s32 s31, $0x1;
	_ =	swait.ge [sflag:s13], $0x4000  }
.Ltmp0:
0x1c: {  	s15 =	sadd.s32 s16, s15;
	[sflag:s13] =	ssyncset.done $0x0;
	(pc) =	sbr.rel @!p0 .LBB2_2-.Ltmp0, $4  }
0x1d: {  	s14 =	sadd.s32 $0x479000, s15;
	[sflag:s13] =	ssyncadd.s32 $0xFFFFC000  }
0x1e: {  	[hbm4b:s14+s2] =	stream.linear.scatter [tilespmem:s7], [sflag:$0x2], $0x10000, $0x38;
	[tilespmem:$0x10200] =	vst v63  }
0x1f: {  	_ =	swait.ge [sflag:s3], $0x10000  }
0x20: {  	s15 =	sadd.s32 $0xFFFFFFFF, s31;
	[sflag:s3] =	ssyncset.done $0x0  }
.LBB2_1:
0x21: {  	p0 =	sne.s32 s15, $0x1;
	s15 =	sadd.s32 $0xFFFFFFFF, s15;
	[sflag:s3] =	ssyncadd.s32 $0xFFFF0000  }
0x22: {  	[tilespmem:s2], [sflag:$0x2] =	stream.linear.gather [hbm4b:s4+s2], $0x200, $0x38;
	[tilespmem:$0x10200] =	vst v63  }
0x23: {  	_ =	swait.ge [sflag:s3], $0x200  }
0x24: {  	[sflag:s3] =	ssyncset.done $0x0  }
0x25: {  	[sflag:s3] =	ssyncadd.s32 $0xFFFFFE00  }
0x26: {  	[tilespmem:s7], [sflag:$0x1] =	stream.indirect.gather [hbm4b:s5+s6], $0x80, s2, s6, $0xb8;
	[tilespmem:$0x10200] =	vst v63  }
0x27: {  	_ = 	snop  }
0x28: {  	[tilespmem:s8], [sflag:$0x1] =	stream.indirect.gather [hbm4b:s5+s6], $0x80, s6, s6, $0xb8;
	[tilespmem:$0x10200] =	vst v63  }
0x29: {  	_ = 	snop  }
0x2a: {  	[tilespmem:s10], [sflag:$0x1] =	stream.indirect.gather [hbm4b:s5+s6], $0x80, s9, s6, $0xb8;
	[tilespmem:$0x10200] =	vst v63  }
0x2b: {  	_ = 	snop  }
0x2c: {  	[tilespmem:s12], [sflag:$0x1] =	stream.indirect.gather [hbm4b:s5+s6], $0x80, s11, s6, $0xb8;
	[tilespmem:$0x10200] =	vst v63  }
0x2d: {  	_ =	swait.ge [sflag:s13], $0x4000  }
0x2e: {  	[sflag:s13] =	ssyncset.done $0x0  }
0x2f: {  	[sflag:s13] =	ssyncadd.s32 $0xFFFFC000  }
0x30: {  	_ =	swait.ge [sflag:s13], $0x4000  }
0x31: {  	[sflag:s13] =	ssyncset.done $0x0  }
0x32: {  	[sflag:s13] =	ssyncadd.s32 $0xFFFFC000  }
0x33: {  	_ =	swait.ge [sflag:s13], $0x4000  }
0x34: {  	[sflag:s13] =	ssyncset.done $0x0  }
0x35: {  	[sflag:s13] =	ssyncadd.s32 $0xFFFFC000  }
0x36: {  	_ =	swait.ge [sflag:s13], $0x4000  }
.Ltmp1:
0x37: {  	[sflag:s13] =	ssyncset.done $0x0;
	(pc) =	sbr.rel @p0 .LBB2_1-.Ltmp1, $4  }
0x38: {  	[sflag:s13] =	ssyncadd.s32 $0xFFFFC000  }
0x39: {  	[hbm4b:s14+s2] =	stream.linear.scatter [tilespmem:s7], [sflag:$0x2], $0x10000, $0x38;
	[tilespmem:$0x10200] =	vst v63  }
0x3a: {  	_ =	swait.ge [sflag:s3], $0x10000  }
0x3b: {  	[sflag:s3] =	ssyncset.done $0x0  }
.LBB2_2:
0x3c: {  	[sflag:s3] =	ssyncadd.s32 $0xFFFF0000  }
0x3d: {  	_ =	sfence.sel $0x180000  }
0x3e: {  	[bflag:$0x0] =	sbarrier.arrive $0xFFFF  }
0x3f: {  	p0 =	sne.s32 s0, $0x0;
	_ =	strace $0x9000004A  }
0x40: {  	s0 =	sadd.s32 @!p0 $0x100000, s1;
	[bflag:$0x2] =	sbarrier.arrive $0xFFFF  }
0x41: {  	[sflag:s0] =	ssyncadd.tile.s32 @!p0 $0x1;
	_ =	shalt  }
.Lfunc_end2:
_tile_overlayer_lowered:
.L_overlay_start_2:
0x42: {  	(tag) =	ssettag $0x2  }
0x43: {  	s0 =	rddreg [dreg:$0x0];
	s2 =	stileid.u32  }
0x44: {  	s1 =	rddreg [dreg:$0x1];
	p0 =	sne.s32 s2, $0x0  }
0x45: {  	s3 =	rddreg [dreg:$0x2];
	[bflag:$0x3] =	sbarrier.arrive $0xFFFF;
	s2 =	simm.s32 @!p0 $0x1C02  }
0x46: {  	[timem:s3], [sflag:s2] =	dma.local @!p0 [hbm:s0], s1  }
0x47: {  	s0 =	simm.s32 @!p0 $0x2  }
0x48: {  	_ =	swait.ge @!p0 [sflag:s0], s1  }
0x49: {  	s1 =	ssub.s32 @!p0 $0x0, s1;
	[sflag:s0] =	ssyncset.done @!p0 $0x0  }
0x4a: {  	[sflag:s0] =	ssyncadd.s32 @!p0 s1  }
0x4b: {  	[bflag:$0x3] =	sbarrier.arrive $0xFFFF  }
0x4c: {  	_ =	shalt  }

</sc_bundles>
